<compile_context>
chip_gen: v7x
topology: tpu7x:2x2x1
jax: 0.10.2.dev20260603
libtpu: 0.0.44.dev20260713+nightly
codegen_flags: <defaults>
</compile_context>

<pallas_src>
import jax
import jax.numpy as jnp
from jax import lax
from jax.experimental import pallas as pl
from jax.experimental.pallas import tpu as pltpu
from jax.experimental.pallas import tpu_sc as plsc

_LOG2 = 0.6931471805599453

_NC = 2
_NS = 16
_LANES = 16
_C = 128


def _ssp(v):
    r = jnp.log(1.0 + jnp.exp(jnp.minimum(v, 60.0)))
    return jnp.maximum(r, v) - _LOG2




def _edge_mlp_body(bf_ref, eh_in_ref, w1_ref, b1_ref, w2_ref, b2_ref, out_ref):
    h = jnp.dot(bf_ref[...], w1_ref[...], preferred_element_type=jnp.float32)
    h = _ssp(h + b1_ref[...])
    h = jnp.dot(h, w2_ref[...], preferred_element_type=jnp.float32)
    h = _ssp(h + b2_ref[...]) * eh_in_ref[...]
    out_ref[0] = h[:, :32]
    out_ref[1] = h[:, 32:]


def _edge_mlp(bf, edge_h, w1, b1, w2, b2, block_e=6400):
    e, r = bf.shape
    f = edge_h.shape[1]
    grid = e // block_e
    return pl.pallas_call(
        _edge_mlp_body,
        grid=(grid,),
        in_specs=[
            pl.BlockSpec((block_e, r), lambda i: (i, 0)),
            pl.BlockSpec((block_e, f), lambda i: (i, 0)),
            pl.BlockSpec((r, f), lambda i: (0, 0)),
            pl.BlockSpec((1, f), lambda i: (0, 0)),
            pl.BlockSpec((f, f), lambda i: (0, 0)),
            pl.BlockSpec((1, f), lambda i: (0, 0)),
        ],
        out_specs=pl.BlockSpec((2, block_e, 32), lambda i: (0, i, 0)),
        out_shape=jax.ShapeDtypeStruct((2, e, 32), jnp.float32),
        compiler_params=pltpu.CompilerParams(
            dimension_semantics=("arbitrary",)),
    )(bf, edge_h, w1, b1, w2, b2)




def _make_sc_scatter(n, e, chunk=80):
    per_sub = e // _NS
    nchunk = per_sub // chunk
    rows_a = ((n // _NS) + 7) // 8 * 8
    rows_last = n - (_NS - 1) * rows_a
    mesh = plsc.VectorSubcoreMesh(core_axis_name="c", subcore_axis_name="s")

    def sc_body(x2_hbm, eh2_hbm, src_hbm, dst_hbm, zer_hbm, zc_hbm, one_hbm,
                summed_hbm, cnt_hbm,
                srcv, dstv, ehv, xv, onesv, acc, cntacc, sem):
        c = lax.axis_index("c")
        s = lax.axis_index("s")
        row0 = s * rows_a

        @pl.when(s < _NS - 1)
        def _():
            pltpu.sync_copy(zer_hbm, acc.at[pl.ds(row0, rows_a)])
            pltpu.sync_copy(zc_hbm, cntacc.at[pl.ds(row0, rows_a)])

        @pl.when(s == _NS - 1)
        def _():
            pltpu.sync_copy(zer_hbm.at[pl.ds(0, rows_last)],
                            acc.at[pl.ds(row0, rows_last)])
            pltpu.sync_copy(zc_hbm.at[pl.ds(0, rows_last)],
                            cntacc.at[pl.ds(row0, rows_last)])

        pltpu.sync_copy(one_hbm, onesv)
        plsc.subcore_barrier()

        coff = c * n

        def chunk_body(j, _):
            e0 = s * per_sub + j * chunk
            pltpu.sync_copy(src_hbm.at[pl.ds(e0, chunk)], srcv)
            pltpu.sync_copy(dst_hbm.at[pl.ds(e0, chunk)], dstv)
            pltpu.sync_copy(eh2_hbm.at[c, pl.ds(e0, chunk)], ehv)
            for k in range(chunk // _LANES):
                sl = pl.ds(k * _LANES, _LANES)
                srcv[sl] = srcv[sl] + coff
            pltpu.async_copy(x2_hbm.at[srcv], xv, sem).wait()
            lo = pl.ds(0, _LANES)
            hi = pl.ds(_LANES, _LANES)

            def mul_body(rr, _):
                xv[rr, lo] = xv[rr, lo] * ehv[rr, lo]
                xv[rr, hi] = xv[rr, hi] * ehv[rr, hi]
                return 0

            lax.fori_loop(0, chunk, mul_body, 0, unroll=4)
            pltpu.sync_copy(xv, acc.at[dstv], add=True)

            @pl.when((j % 2) == c)
            def _():
                pltpu.sync_copy(onesv, cntacc.at[dstv], add=True)

            return 0

        lax.fori_loop(0, nchunk, chunk_body, 0)
        plsc.subcore_barrier()

        @pl.when(s < _NS - 1)
        def _():
            pltpu.sync_copy(acc.at[pl.ds(row0, rows_a)],
                            summed_hbm.at[c, pl.ds(row0, rows_a)])
            pltpu.sync_copy(cntacc.at[pl.ds(row0, rows_a)],
                            cnt_hbm.at[c, pl.ds(row0, rows_a)])

        @pl.when(s == _NS - 1)
        def _():
            pltpu.sync_copy(acc.at[pl.ds(row0, rows_last)],
                            summed_hbm.at[c, pl.ds(row0, rows_last)])
            pltpu.sync_copy(cntacc.at[pl.ds(row0, rows_last)],
                            cnt_hbm.at[c, pl.ds(row0, rows_last)])

    return pl.kernel(
        sc_body,
        out_type=(
            jax.ShapeDtypeStruct((_NC, n, 32), jnp.float32),
            jax.ShapeDtypeStruct((_NC, n, 8), jnp.float32),
        ),
        mesh=mesh,
        scratch_types=[
            pltpu.VMEM((chunk,), jnp.int32),
            pltpu.VMEM((chunk,), jnp.int32),
            pltpu.VMEM((chunk, 32), jnp.float32),
            pltpu.VMEM((chunk, 32), jnp.float32),
            pltpu.VMEM((chunk, 8), jnp.float32),
            pltpu.VMEM_SHARED((n, 32), jnp.float32),
            pltpu.VMEM_SHARED((n, 8), jnp.float32),
            pltpu.SemaphoreType.DMA,
        ],
        compiler_params=pltpu.CompilerParams(use_tc_tiling_on_sc=False),
    )




def _node_mlp_body(sum_ref, cnt_ref, w1_ref, b1_ref, w2_ref, b2_ref, out_ref):
    h = jnp.concatenate([sum_ref[0], sum_ref[1]], axis=1)
    cv = cnt_ref[0, :, 0:1] + cnt_ref[1, :, 0:1]
    h = h / jnp.maximum(cv, 1.0)
    h = jnp.dot(h, w1_ref[...], preferred_element_type=jnp.float32)
    h = _ssp(h + b1_ref[...])
    h = jnp.dot(h, w2_ref[...], preferred_element_type=jnp.float32)
    out_ref[...] = _ssp(h + b2_ref[...])


def _node_mlp(summed, cnt, w1, b1, w2, b2, block_n=2000):
    n = summed.shape[1]
    f = w1.shape[0]
    grid = n // block_n
    return pl.pallas_call(
        _node_mlp_body,
        grid=(grid,),
        in_specs=[
            pl.BlockSpec((2, block_n, 32), lambda i: (0, i, 0)),
            pl.BlockSpec((2, block_n, 8), lambda i: (0, i, 0)),
            pl.BlockSpec((f, f), lambda i: (0, 0)),
            pl.BlockSpec((1, f), lambda i: (0, 0)),
            pl.BlockSpec((f, f), lambda i: (0, 0)),
            pl.BlockSpec((1, f), lambda i: (0, 0)),
        ],
        out_specs=pl.BlockSpec((block_n, f), lambda i: (i, 0)),
        out_shape=jax.ShapeDtypeStruct((n, f), jnp.float32),
        compiler_params=pltpu.CompilerParams(
            dimension_semantics=("arbitrary",)),
    )(summed, cnt, w1, b1, w2, b2)




def kernel(x, edge_h, bf, edge_index, W_fgn1, b_fgn1, W_fgn2, b_fgn2,
           W_ib1, b_ib1, W_ib2, b_ib2):
    n, f = x.shape
    e = bf.shape[0]

    eh2 = _edge_mlp(bf, edge_h, W_fgn1, b_fgn1.reshape(1, f),
                    W_fgn2, b_fgn2.reshape(1, f))

    x2 = jnp.concatenate([x[:, :32], x[:, 32:]], axis=0)
    src = edge_index[0]
    dst = edge_index[1]
    chunk = 80
    rows_a = ((n // _NS) + 7) // 8 * 8
    zer = jnp.zeros((rows_a, 32), jnp.float32)
    zc = jnp.zeros((rows_a, 8), jnp.float32)
    one = jnp.zeros((chunk, 8), jnp.float32).at[:, 0].set(1.0)

    sc = _make_sc_scatter(n, e, chunk)
    summed, cnt = sc(x2, eh2, src, dst, zer, zc, one)

    return _node_mlp(summed, cnt, W_ib1, b_ib1.reshape(1, f),
                     W_ib2, b_ib2.reshape(1, f))

# --- scband reference (transcript-rebuilt; emitter-appended) ---
"""Pipeline reference for scband-schnet-conv-25220047962133 (READ-ONLY COPY).

The authoritative reference and input builder live on the scoring server;
editing this copy changes nothing except your own understanding.
"""

import jax, jax.numpy as jnp
import numpy as np

def ssp(v):
    # shifted softplus, the standard SchNet nonlinearity
    return jnp.logaddexp(v, 0.0) - jnp.log(2.0)

def setup_inputs(seed: int = 0):
    key = jax.random.key(seed)
    ks = jax.random.split(key, 12)
    N, E, F, R = 50000, 800000, 64, 128
    x = jax.random.normal(ks[0], (N, F), dtype=jnp.float32)
    edge_h = jax.random.normal(ks[1], (E, F), dtype=jnp.float32)
    bf = jax.random.uniform(ks[2], (E, R), dtype=jnp.float32)
    edge_index = jax.random.randint(ks[3], (2, E), 0, N, dtype=jnp.int32)
    W_fgn1 = jax.random.normal(ks[4], (R, F), dtype=jnp.float32) / np.sqrt(R)
    b_fgn1 = jnp.zeros((F,), dtype=jnp.float32)
    W_fgn2 = jax.random.normal(ks[5], (F, F), dtype=jnp.float32) / np.sqrt(F)
    b_fgn2 = jnp.zeros((F,), dtype=jnp.float32)
    W_ib1 = jax.random.normal(ks[6], (F, F), dtype=jnp.float32) / np.sqrt(F)
    b_ib1 = jnp.zeros((F,), dtype=jnp.float32)
    W_ib2 = jax.random.normal(ks[7], (F, F), dtype=jnp.float32) / np.sqrt(F)
    b_ib2 = jnp.zeros((F,), dtype=jnp.float32)
    return {"x": x, "edge_h": edge_h, "bf": bf, "edge_index": edge_index,
            "W_fgn1": W_fgn1, "b_fgn1": b_fgn1, "W_fgn2": W_fgn2, "b_fgn2": b_fgn2,
            "W_ib1": W_ib1, "b_ib1": b_ib1, "W_ib2": W_ib2, "b_ib2": b_ib2}

def reference(x, edge_h, bf, edge_index, W_fgn1, b_fgn1, W_fgn2, b_fgn2, W_ib1, b_ib1, W_ib2, b_ib2):
    # filter-generating network on edge radial-basis features
    h_bf = ssp(bf @ W_fgn1 + b_fgn1)
    h_bf = ssp(h_bf @ W_fgn2 + b_fgn2)
    # modulate edge features
    eh = h_bf * edge_h
    src = edge_index[0]
    dst = edge_index[1]
    # message: u_mul_e('h','h','m') -> src node feature * edge feature
    m = jnp.take(x, src, axis=0) * eh
    N = x.shape[0]
    summed = jax.ops.segment_sum(m, dst, num_segments=N)
    cnt = jax.ops.segment_sum(jnp.ones((m.shape[0],), dtype=m.dtype), dst, num_segments=N)
    h = summed / jnp.clip(cnt, 1.0)[:, None]  # fn.mean
    out = ssp(h @ W_ib1 + b_ib1)
    return ssp(out @ W_ib2 + b_ib2)

if __name__ == "__main__":
    import jax
    _d = setup_inputs()
    print(jax.jit(kernel)(*tuple(_d.values())))

</pallas_src>

<mosaic_0001>
#map = affine_map<(d0, d1) -> (0, 0)>
#map1 = affine_map<(d0, d1) -> (0, 0, 0)>
#map2 = affine_map<(d0, d1) -> (0)>
module attributes {stable_mosaic.version = 14 : i64} {
  func.func @sc_body(%arg0: i32, %arg1: i32, %arg2: memref<100000x32xf32, #tpu.memory_space<hbm>>, %arg3: memref<2x800000x32xf32, #tpu.memory_space<hbm>>, %arg4: memref<800000xi32, #tpu.memory_space<hbm>>, %arg5: memref<800000xi32, #tpu.memory_space<hbm>>, %arg6: memref<3128x32xf32, #tpu.memory_space<hbm>>, %arg7: memref<3128x8xf32, #tpu.memory_space<hbm>>, %arg8: memref<80x8xf32, #tpu.memory_space<hbm>>, %arg9: memref<2x50000x32xf32, #tpu.memory_space<hbm>>, %arg10: memref<2x50000x8xf32, #tpu.memory_space<hbm>>, %arg11: memref<80xi32, #tpu.memory_space<vmem>>, %arg12: memref<80xi32, #tpu.memory_space<vmem>>, %arg13: memref<80x32xf32, #tpu.memory_space<vmem>>, %arg14: memref<80x32xf32, #tpu.memory_space<vmem>>, %arg15: memref<80x8xf32, #tpu.memory_space<vmem>>, %arg16: memref<50000x32xf32, #tpu.memory_space<vmem_shared>>, %arg17: memref<50000x8xf32, #tpu.memory_space<vmem_shared>>, %arg18: memref<!tpu.dma_semaphore, #tpu.memory_space<semaphore_mem>>) attributes {dimension_semantics = [#tpu.dimension_semantics<core_parallel>, #tpu.dimension_semantics<subcore_parallel>], iteration_bounds = array<i64: 2, 16>, scalar_prefetch = 0 : i64, scratch_operands = 8 : i64, tpu.core_type = #tpu.core_type<sc_vector_subcore>, window_params = [{transform_indices = #map}, {transform_indices = #map1}, {transform_indices = #map2}, {transform_indices = #map2}, {transform_indices = #map}, {transform_indices = #map}, {transform_indices = #map}, {transform_indices = #map1}, {transform_indices = #map1}]} {
    %mul3A = arith.constant 3128 : i32
    %mul3A_0 = arith.muli %arg1, %mul3A : i32
    %lt3A = arith.constant 15 : i32
    %lt3A_1 = arith.cmpi slt, %arg1, %lt3A : i32
    %convert_element_type3A = arith.extui %lt3A_1 : i1 to i32
    %cond3A = arith.constant 0 : i32
    %cond3A_2 = arith.cmpi ne, %convert_element_type3A, %cond3A : i32
    scf.if %cond3A_2 {
      "tpu.region"() ({
        %run_scoped3A = tpu.sem_alloc : memref<!tpu.dma_semaphore, #tpu.memory_space<semaphore_mem>>
        %dma_start3A = arith.constant 0 : i32
        %dma_start3A_26 = tpu.memref_slice %arg16[%mul3A_0, %dma_start3A] : memref<50000x32xf32, #tpu.memory_space<vmem_shared>> -> memref<3128x32xf32, #tpu.memory_space<vmem_shared>>
        tpu.enqueue_dma source(%arg6 : memref<3128x32xf32, #tpu.memory_space<hbm>>) target(%dma_start3A_26 : memref<3128x32xf32, #tpu.memory_space<vmem_shared>>) target_semaphore(%run_scoped3A : memref<!tpu.dma_semaphore, #tpu.memory_space<semaphore_mem>>)
        %dma_wait3A = arith.constant 0 : i32
        %dma_wait3A_27 = tpu.memref_slice %arg16[%mul3A_0, %dma_wait3A] : memref<50000x32xf32, #tpu.memory_space<vmem_shared>> -> memref<3128x32xf32, #tpu.memory_space<vmem_shared>>
        tpu.wait_dma2 semaphore(%run_scoped3A : memref<!tpu.dma_semaphore, #tpu.memory_space<semaphore_mem>>) src(%arg6 : memref<3128x32xf32, #tpu.memory_space<hbm>>) dst(%dma_wait3A_27 : memref<3128x32xf32, #tpu.memory_space<vmem_shared>>)
        tpu.yield
      }) : () -> ()
      "tpu.region"() ({
        %run_scoped3A = tpu.sem_alloc : memref<!tpu.dma_semaphore, #tpu.memory_space<semaphore_mem>>
        %dma_start3A = arith.constant 0 : i32
        %dma_start3A_26 = tpu.memref_slice %arg17[%mul3A_0, %dma_start3A] : memref<50000x8xf32, #tpu.memory_space<vmem_shared>> -> memref<3128x8xf32, #tpu.memory_space<vmem_shared>>
        tpu.enqueue_dma source(%arg7 : memref<3128x8xf32, #tpu.memory_space<hbm>>) target(%dma_start3A_26 : memref<3128x8xf32, #tpu.memory_space<vmem_shared>>) target_semaphore(%run_scoped3A : memref<!tpu.dma_semaphore, #tpu.memory_space<semaphore_mem>>)
        %dma_wait3A = arith.constant 0 : i32
        %dma_wait3A_27 = tpu.memref_slice %arg17[%mul3A_0, %dma_wait3A] : memref<50000x8xf32, #tpu.memory_space<vmem_shared>> -> memref<3128x8xf32, #tpu.memory_space<vmem_shared>>
        tpu.wait_dma2 semaphore(%run_scoped3A : memref<!tpu.dma_semaphore, #tpu.memory_space<semaphore_mem>>) src(%arg7 : memref<3128x8xf32, #tpu.memory_space<hbm>>) dst(%dma_wait3A_27 : memref<3128x8xf32, #tpu.memory_space<vmem_shared>>)
        tpu.yield
      }) : () -> ()
    } else {
    }
    %eq3A = arith.constant 15 : i32
    %eq3A_3 = arith.cmpi eq, %arg1, %eq3A : i32
    %convert_element_type3A_4 = arith.extui %eq3A_3 : i1 to i32
    %cond3A_5 = arith.constant 0 : i32
    %cond3A_6 = arith.cmpi ne, %convert_element_type3A_4, %cond3A_5 : i32
    scf.if %cond3A_6 {
      "tpu.region"() ({
        %run_scoped3A = tpu.sem_alloc : memref<!tpu.dma_semaphore, #tpu.memory_space<semaphore_mem>>
        %dma_start3A = arith.constant 0 : i32
        %dma_start3A_26 = tpu.memref_slice %arg16[%mul3A_0, %dma_start3A] : memref<50000x32xf32, #tpu.memory_space<vmem_shared>> -> memref<3080x32xf32, #tpu.memory_space<vmem_shared>>
        %dma_start3A_27 = arith.constant 0 : i32
        %dma_start3A_28 = arith.constant 0 : i32
        %dma_start3A_29 = tpu.memref_slice %arg6[%dma_start3A_27, %dma_start3A_28] : memref<3128x32xf32, #tpu.memory_space<hbm>> -> memref<3080x32xf32, #tpu.memory_space<hbm>>
        tpu.enqueue_dma source(%dma_start3A_29 : memref<3080x32xf32, #tpu.memory_space<hbm>>) target(%dma_start3A_26 : memref<3080x32xf32, #tpu.memory_space<vmem_shared>>) target_semaphore(%run_scoped3A : memref<!tpu.dma_semaphore, #tpu.memory_space<semaphore_mem>>)
        %dma_wait3A = arith.constant 0 : i32
        %dma_wait3A_30 = tpu.memref_slice %arg16[%mul3A_0, %dma_wait3A] : memref<50000x32xf32, #tpu.memory_space<vmem_shared>> -> memref<3080x32xf32, #tpu.memory_space<vmem_shared>>
        %dma_wait3A_31 = arith.constant 0 : i32
        %dma_wait3A_32 = arith.constant 0 : i32
        %dma_wait3A_33 = tpu.memref_slice %arg6[%dma_wait3A_31, %dma_wait3A_32] : memref<3128x32xf32, #tpu.memory_space<hbm>> -> memref<3080x32xf32, #tpu.memory_space<hbm>>
        tpu.wait_dma2 semaphore(%run_scoped3A : memref<!tpu.dma_semaphore, #tpu.memory_space<semaphore_mem>>) src(%dma_wait3A_33 : memref<3080x32xf32, #tpu.memory_space<hbm>>) dst(%dma_wait3A_30 : memref<3080x32xf32, #tpu.memory_space<vmem_shared>>)
        tpu.yield
      }) : () -> ()
      "tpu.region"() ({
        %run_scoped3A = tpu.sem_alloc : memref<!tpu.dma_semaphore, #tpu.memory_space<semaphore_mem>>
        %dma_start3A = arith.constant 0 : i32
        %dma_start3A_26 = tpu.memref_slice %arg17[%mul3A_0, %dma_start3A] : memref<50000x8xf32, #tpu.memory_space<vmem_shared>> -> memref<3080x8xf32, #tpu.memory_space<vmem_shared>>
        %dma_start3A_27 = arith.constant 0 : i32
        %dma_start3A_28 = arith.constant 0 : i32
        %dma_start3A_29 = tpu.memref_slice %arg7[%dma_start3A_27, %dma_start3A_28] : memref<3128x8xf32, #tpu.memory_space<hbm>> -> memref<3080x8xf32, #tpu.memory_space<hbm>>
        tpu.enqueue_dma source(%dma_start3A_29 : memref<3080x8xf32, #tpu.memory_space<hbm>>) target(%dma_start3A_26 : memref<3080x8xf32, #tpu.memory_space<vmem_shared>>) target_semaphore(%run_scoped3A : memref<!tpu.dma_semaphore, #tpu.memory_space<semaphore_mem>>)
        %dma_wait3A = arith.constant 0 : i32
        %dma_wait3A_30 = tpu.memref_slice %arg17[%mul3A_0, %dma_wait3A] : memref<50000x8xf32, #tpu.memory_space<vmem_shared>> -> memref<3080x8xf32, #tpu.memory_space<vmem_shared>>
        %dma_wait3A_31 = arith.constant 0 : i32
        %dma_wait3A_32 = arith.constant 0 : i32
        %dma_wait3A_33 = tpu.memref_slice %arg7[%dma_wait3A_31, %dma_wait3A_32] : memref<3128x8xf32, #tpu.memory_space<hbm>> -> memref<3080x8xf32, #tpu.memory_space<hbm>>
        tpu.wait_dma2 semaphore(%run_scoped3A : memref<!tpu.dma_semaphore, #tpu.memory_space<semaphore_mem>>) src(%dma_wait3A_33 : memref<3080x8xf32, #tpu.memory_space<hbm>>) dst(%dma_wait3A_30 : memref<3080x8xf32, #tpu.memory_space<vmem_shared>>)
        tpu.yield
      }) : () -> ()
    } else {
    }
    "tpu.region"() ({
      %run_scoped3A = tpu.sem_alloc : memref<!tpu.dma_semaphore, #tpu.memory_space<semaphore_mem>>
      tpu.enqueue_dma source(%arg8 : memref<80x8xf32, #tpu.memory_space<hbm>>) target(%arg15 : memref<80x8xf32, #tpu.memory_space<vmem>>) target_semaphore(%run_scoped3A : memref<!tpu.dma_semaphore, #tpu.memory_space<semaphore_mem>>)
      tpu.wait_dma2 semaphore(%run_scoped3A : memref<!tpu.dma_semaphore, #tpu.memory_space<semaphore_mem>>) src(%arg8 : memref<80x8xf32, #tpu.memory_space<hbm>>) dst(%arg15 : memref<80x8xf32, #tpu.memory_space<vmem>>)
      tpu.yield
    }) : () -> ()
    %barrier3A = arith.constant 0 : index
    tpu.barrier barrier_id(%barrier3A)
    %mul3A_7 = arith.constant 50000 : i32
    %mul3A_8 = arith.muli %arg0, %mul3A_7 : i32
    %scan3A = arith.constant 0 : i32
    %scan3A_9 = arith.constant 0 : i32
    %scan3A_10 = arith.constant 625 : i32
    %scan3A_11 = arith.addi %scan3A_9, %scan3A_10 : i32
    %scan3A_12 = arith.constant 1 : i32
    %scan3A_13 = scf.for %scan3A_26 = %scan3A_9 to %scan3A_11 step %scan3A_12 iter_args(%scan3A_27 = %scan3A) -> (i32)  : i32 {
      %mul3A_28 = arith.constant 50000 : i32
      %mul3A_29 = arith.muli %arg1, %mul3A_28 : i32
      %mul3A_30 = arith.constant 80 : i32
      %mul3A_31 = arith.muli %scan3A_26, %mul3A_30 : i32
      %add3A = arith.addi %mul3A_29, %mul3A_31 : i32
      "tpu.region"() ({
        %run_scoped3A = tpu.sem_alloc : memref<!tpu.dma_semaphore, #tpu.memory_space<semaphore_mem>>
        %dma_start3A_102 = tpu.memref_slice %arg4[%add3A] : memref<800000xi32, #tpu.memory_space<hbm>> -> memref<80xi32, #tpu.memory_space<hbm>>
        %dma_start3A_103 = tpu.memref_slice %arg4[%add3A] : memref<800000xi32, #tpu.memory_space<hbm>> -> memref<80xi32, #tpu.memory_space<hbm>>
        tpu.enqueue_dma source(%dma_start3A_103 : memref<80xi32, #tpu.memory_space<hbm>>) target(%arg11 : memref<80xi32, #tpu.memory_space<vmem>>) target_semaphore(%run_scoped3A : memref<!tpu.dma_semaphore, #tpu.memory_space<semaphore_mem>>)
        %dma_wait3A_104 = tpu.memref_slice %arg4[%add3A] : memref<800000xi32, #tpu.memory_space<hbm>> -> memref<80xi32, #tpu.memory_space<hbm>>
        %dma_wait3A_105 = tpu.memref_slice %arg4[%add3A] : memref<800000xi32, #tpu.memory_space<hbm>> -> memref<80xi32, #tpu.memory_space<hbm>>
        tpu.wait_dma2 semaphore(%run_scoped3A : memref<!tpu.dma_semaphore, #tpu.memory_space<semaphore_mem>>) src(%dma_wait3A_105 : memref<80xi32, #tpu.memory_space<hbm>>) dst(%arg11 : memref<80xi32, #tpu.memory_space<vmem>>)
        tpu.yield
      }) : () -> ()
      "tpu.region"() ({
        %run_scoped3A = tpu.sem_alloc : memref<!tpu.dma_semaphore, #tpu.memory_space<semaphore_mem>>
        %dma_start3A_102 = tpu.memref_slice %arg5[%add3A] : memref<800000xi32, #tpu.memory_space<hbm>> -> memref<80xi32, #tpu.memory_space<hbm>>
        %dma_start3A_103 = tpu.memref_slice %arg5[%add3A] : memref<800000xi32, #tpu.memory_space<hbm>> -> memref<80xi32, #tpu.memory_space<hbm>>
        tpu.enqueue_dma source(%dma_start3A_103 : memref<80xi32, #tpu.memory_space<hbm>>) target(%arg12 : memref<80xi32, #tpu.memory_space<vmem>>) target_semaphore(%run_scoped3A : memref<!tpu.dma_semaphore, #tpu.memory_space<semaphore_mem>>)
        %dma_wait3A_104 = tpu.memref_slice %arg5[%add3A] : memref<800000xi32, #tpu.memory_space<hbm>> -> memref<80xi32, #tpu.memory_space<hbm>>
        %dma_wait3A_105 = tpu.memref_slice %arg5[%add3A] : memref<800000xi32, #tpu.memory_space<hbm>> -> memref<80xi32, #tpu.memory_space<hbm>>
        tpu.wait_dma2 semaphore(%run_scoped3A : memref<!tpu.dma_semaphore, #tpu.memory_space<semaphore_mem>>) src(%dma_wait3A_105 : memref<80xi32, #tpu.memory_space<hbm>>) dst(%arg12 : memref<80xi32, #tpu.memory_space<vmem>>)
        tpu.yield
      }) : () -> ()
      "tpu.region"() ({
        %run_scoped3A = tpu.sem_alloc : memref<!tpu.dma_semaphore, #tpu.memory_space<semaphore_mem>>
        %dma_start3A_102 = arith.constant 0 : i32
        %dma_start3A_103 = tpu.memref_slice %arg3[%arg0, %add3A, %dma_start3A_102] : memref<2x800000x32xf32, #tpu.memory_space<hbm>> -> memref<1x80x32xf32, #tpu.memory_space<hbm>>
        %dma_start3A_104 = tpu.memref_squeeze %dma_start3A_103 : memref<1x80x32xf32, #tpu.memory_space<hbm>> -> memref<80x32xf32, #tpu.memory_space<hbm>>
        %dma_start3A_105 = arith.constant 0 : i32
        %dma_start3A_106 = tpu.memref_slice %arg3[%arg0, %add3A, %dma_start3A_105] : memref<2x800000x32xf32, #tpu.memory_space<hbm>> -> memref<1x80x32xf32, #tpu.memory_space<hbm>>
        %dma_start3A_107 = tpu.memref_squeeze %dma_start3A_106 : memref<1x80x32xf32, #tpu.memory_space<hbm>> -> memref<80x32xf32, #tpu.memory_space<hbm>>
        tpu.enqueue_dma source(%dma_start3A_107 : memref<80x32xf32, #tpu.memory_space<hbm>>) target(%arg13 : memref<80x32xf32, #tpu.memory_space<vmem>>) target_semaphore(%run_scoped3A : memref<!tpu.dma_semaphore, #tpu.memory_space<semaphore_mem>>)
        %dma_wait3A_108 = arith.constant 0 : i32
        %dma_wait3A_109 = tpu.memref_slice %arg3[%arg0, %add3A, %dma_wait3A_108] : memref<2x800000x32xf32, #tpu.memory_space<hbm>> -> memref<1x80x32xf32, #tpu.memory_space<hbm>>
        %dma_wait3A_110 = tpu.memref_squeeze %dma_wait3A_109 : memref<1x80x32xf32, #tpu.memory_space<hbm>> -> memref<80x32xf32, #tpu.memory_space<hbm>>
        %dma_wait3A_111 = arith.constant 0 : i32
        %dma_wait3A_112 = tpu.memref_slice %arg3[%arg0, %add3A, %dma_wait3A_111] : memref<2x800000x32xf32, #tpu.memory_space<hbm>> -> memref<1x80x32xf32, #tpu.memory_space<hbm>>
        %dma_wait3A_113 = tpu.memref_squeeze %dma_wait3A_112 : memref<1x80x32xf32, #tpu.memory_space<hbm>> -> memref<80x32xf32, #tpu.memory_space<hbm>>
        tpu.wait_dma2 semaphore(%run_scoped3A : memref<!tpu.dma_semaphore, #tpu.memory_space<semaphore_mem>>) src(%dma_wait3A_113 : memref<80x32xf32, #tpu.memory_space<hbm>>) dst(%arg13 : memref<80x32xf32, #tpu.memory_space<vmem>>)
        tpu.yield
      }) : () -> ()
      %get3A = arith.constant 0 : index
      %get3A_32 = tpu.vector_load %arg11[%get3A] {strides = array<i32>} : memref<80xi32, #tpu.memory_space<vmem>>, vector<16xi32>,
      %get3A_33 = vector.shape_cast %get3A_32 : vector<16xi32> to vector<16xi32>
      %add3A_34 = vector.broadcast %mul3A_8 : i32 to vector<16xi32>
      %add3A_35 = arith.addi %get3A_33, %add3A_34 : vector<16xi32>
      %swap3A = arith.constant 0 : index
      %swap3A_36 = tpu.vector_load %arg11[%swap3A] {strides = array<i32>} : memref<80xi32, #tpu.memory_space<vmem>>, vector<16xi32>,
      %swap3A_37 = vector.shape_cast %swap3A_36 : vector<16xi32> to vector<16xi32>
      %swap3A_38 = vector.shape_cast %add3A_35 : vector<16xi32> to vector<16xi32>
      tpu.vector_store %arg11[%swap3A], %swap3A_38 {strides = array<i32>} : memref<80xi32, #tpu.memory_space<vmem>>, vector<16xi32>,
      %get3A_39 = arith.constant 16 : index
      %get3A_40 = tpu.vector_load %arg11[%get3A_39] {strides = array<i32>} : memref<80xi32, #tpu.memory_space<vmem>>, vector<16xi32>,
      %get3A_41 = vector.shape_cast %get3A_40 : vector<16xi32> to vector<16xi32>
      %add3A_42 = vector.broadcast %mul3A_8 : i32 to vector<16xi32>
      %add3A_43 = arith.addi %get3A_41, %add3A_42 : vector<16xi32>
      %swap3A_44 = arith.constant 16 : index
      %swap3A_45 = tpu.vector_load %arg11[%swap3A_44] {strides = array<i32>} : memref<80xi32, #tpu.memory_space<vmem>>, vector<16xi32>,
      %swap3A_46 = vector.shape_cast %swap3A_45 : vector<16xi32> to vector<16xi32>
      %swap3A_47 = vector.shape_cast %add3A_43 : vector<16xi32> to vector<16xi32>
      tpu.vector_store %arg11[%swap3A_44], %swap3A_47 {strides = array<i32>} : memref<80xi32, #tpu.memory_space<vmem>>, vector<16xi32>,
      %get3A_48 = arith.constant 32 : index
      %get3A_49 = tpu.vector_load %arg11[%get3A_48] {strides = array<i32>} : memref<80xi32, #tpu.memory_space<vmem>>, vector<16xi32>,
      %get3A_50 = vector.shape_cast %get3A_49 : vector<16xi32> to vector<16xi32>
      %add3A_51 = vector.broadcast %mul3A_8 : i32 to vector<16xi32>
      %add3A_52 = arith.addi %get3A_50, %add3A_51 : vector<16xi32>
      %swap3A_53 = arith.constant 32 : index
      %swap3A_54 = tpu.vector_load %arg11[%swap3A_53] {strides = array<i32>} : memref<80xi32, #tpu.memory_space<vmem>>, vector<16xi32>,
      %swap3A_55 = vector.shape_cast %swap3A_54 : vector<16xi32> to vector<16xi32>
      %swap3A_56 = vector.shape_cast %add3A_52 : vector<16xi32> to vector<16xi32>
      tpu.vector_store %arg11[%swap3A_53], %swap3A_56 {strides = array<i32>} : memref<80xi32, #tpu.memory_space<vmem>>, vector<16xi32>,
      %get3A_57 = arith.constant 48 : index
      %get3A_58 = tpu.vector_load %arg11[%get3A_57] {strides = array<i32>} : memref<80xi32, #tpu.memory_space<vmem>>, vector<16xi32>,
      %get3A_59 = vector.shape_cast %get3A_58 : vector<16xi32> to vector<16xi32>
      %add3A_60 = vector.broadcast %mul3A_8 : i32 to vector<16xi32>
      %add3A_61 = arith.addi %get3A_59, %add3A_60 : vector<16xi32>
      %swap3A_62 = arith.constant 48 : index
      %swap3A_63 = tpu.vector_load %arg11[%swap3A_62] {strides = array<i32>} : memref<80xi32, #tpu.memory_space<vmem>>, vector<16xi32>,
      %swap3A_64 = vector.shape_cast %swap3A_63 : vector<16xi32> to vector<16xi32>
      %swap3A_65 = vector.shape_cast %add3A_61 : vector<16xi32> to vector<16xi32>
      tpu.vector_store %arg11[%swap3A_62], %swap3A_65 {strides = array<i32>} : memref<80xi32, #tpu.memory_space<vmem>>, vector<16xi32>,
      %get3A_66 = arith.constant 64 : index
      %get3A_67 = tpu.vector_load %arg11[%get3A_66] {strides = array<i32>} : memref<80xi32, #tpu.memory_space<vmem>>, vector<16xi32>,
      %get3A_68 = vector.shape_cast %get3A_67 : vector<16xi32> to vector<16xi32>
      %add3A_69 = vector.broadcast %mul3A_8 : i32 to vector<16xi32>
      %add3A_70 = arith.addi %get3A_68, %add3A_69 : vector<16xi32>
      %swap3A_71 = arith.constant 64 : index
      %swap3A_72 = tpu.vector_load %arg11[%swap3A_71] {strides = array<i32>} : memref<80xi32, #tpu.memory_space<vmem>>, vector<16xi32>,
      %swap3A_73 = vector.shape_cast %swap3A_72 : vector<16xi32> to vector<16xi32>
      %swap3A_74 = vector.shape_cast %add3A_70 : vector<16xi32> to vector<16xi32>
      tpu.vector_store %arg11[%swap3A_71], %swap3A_74 {strides = array<i32>} : memref<80xi32, #tpu.memory_space<vmem>>, vector<16xi32>,
      %dma_start3A = arith.constant 0 : i32
      %dma_start3A_75 = arith.constant 0 : i32
      %dma_start3A_76 = tpu.memref_slice %arg2[%dma_start3A, %dma_start3A_75] : memref<100000x32xf32, #tpu.memory_space<hbm>> -> memref<100000x32xf32, #tpu.memory_space<hbm>>
      tpu.enqueue_indirect_dma source(%dma_start3A_76 : memref<100000x32xf32, #tpu.memory_space<hbm>>) target(%arg14 : memref<80x32xf32, #tpu.memory_space<vmem>>) offsets(%arg11 : memref<80xi32, #tpu.memory_space<vmem>>) semaphore(%arg18 : memref<!tpu.dma_semaphore, #tpu.memory_space<semaphore_mem>>)
      %dma_wait3A = arith.constant 0 : i32
      %dma_wait3A_77 = arith.constant 0 : i32
      %dma_wait3A_78 = tpu.memref_slice %arg2[%dma_wait3A, %dma_wait3A_77] : memref<100000x32xf32, #tpu.memory_space<hbm>> -> memref<100000x32xf32, #tpu.memory_space<hbm>>
      tpu.wait_indirect_dma semaphore(%arg18 : memref<!tpu.dma_semaphore, #tpu.memory_space<semaphore_mem>>) src(%dma_wait3A_78 : memref<100000x32xf32, #tpu.memory_space<hbm>>) dst(%arg14 : memref<80x32xf32, #tpu.memory_space<vmem>>)
      %scan3A_79 = arith.constant 0 : i32
      %scan3A_80 = arith.constant 0 : i32
      %scan3A_81 = arith.constant 80 : i32
      %scan3A_82 = arith.addi %scan3A_80, %scan3A_81 : i32
      %scan3A_83 = arith.constant 4 : i32
      %scan3A_84 = scf.for %scan3A_102 = %scan3A_80 to %scan3A_82 step %scan3A_83 iter_args(%scan3A_103 = %scan3A_79) -> (i32)  : i32 {
        %get3A_104 = arith.index_cast %scan3A_102 : i32 to index
        %get3A_105 = arith.constant 0 : index
        %get3A_106 = tpu.vector_load %arg14[%get3A_104, %get3A_105] {strides = array<i32>} : memref<80x32xf32, #tpu.memory_space<vmem>>, vector<1x16xf32>,
        %get3A_107 = vector.shape_cast %get3A_106 : vector<1x16xf32> to vector<16xf32>
        %get3A_108 = arith.index_cast %scan3A_102 : i32 to index
        %get3A_109 = arith.constant 0 : index
        %get3A_110 = tpu.vector_load %arg13[%get3A_108, %get3A_109] {strides = array<i32>} : memref<80x32xf32, #tpu.memory_space<vmem>>, vector<1x16xf32>,
        %get3A_111 = vector.shape_cast %get3A_110 : vector<1x16xf32> to vector<16xf32>
        %mul3A_112 = arith.mulf %get3A_107, %get3A_111 : vector<16xf32>
        %swap3A_113 = arith.index_cast %scan3A_102 : i32 to index
        %swap3A_114 = arith.constant 0 : index
        %swap3A_115 = tpu.vector_load %arg14[%swap3A_113, %swap3A_114] {strides = array<i32>} : memref<80x32xf32, #tpu.memory_space<vmem>>, vector<1x16xf32>,
        %swap3A_116 = vector.shape_cast %swap3A_115 : vector<1x16xf32> to vector<16xf32>
        %swap3A_117 = vector.shape_cast %mul3A_112 : vector<16xf32> to vector<1x16xf32>
        tpu.vector_store %arg14[%swap3A_113, %swap3A_114], %swap3A_117 {strides = array<i32>} : memref<80x32xf32, #tpu.memory_space<vmem>>, vector<1x16xf32>,
        %get3A_118 = arith.index_cast %scan3A_102 : i32 to index
        %get3A_119 = arith.constant 16 : index
        %get3A_120 = tpu.vector_load %arg14[%get3A_118, %get3A_119] {strides = array<i32>} : memref<80x32xf32, #tpu.memory_space<vmem>>, vector<1x16xf32>,
        %get3A_121 = vector.shape_cast %get3A_120 : vector<1x16xf32> to vector<16xf32>
        %get3A_122 = arith.index_cast %scan3A_102 : i32 to index
        %get3A_123 = arith.constant 16 : index
        %get3A_124 = tpu.vector_load %arg13[%get3A_122, %get3A_123] {strides = array<i32>} : memref<80x32xf32, #tpu.memory_space<vmem>>, vector<1x16xf32>,
        %get3A_125 = vector.shape_cast %get3A_124 : vector<1x16xf32> to vector<16xf32>
        %mul3A_126 = arith.mulf %get3A_121, %get3A_125 : vector<16xf32>
        %swap3A_127 = arith.index_cast %scan3A_102 : i32 to index
        %swap3A_128 = arith.constant 16 : index
        %swap3A_129 = tpu.vector_load %arg14[%swap3A_127, %swap3A_128] {strides = array<i32>} : memref<80x32xf32, #tpu.memory_space<vmem>>, vector<1x16xf32>,
        %swap3A_130 = vector.shape_cast %swap3A_129 : vector<1x16xf32> to vector<16xf32>
        %swap3A_131 = vector.shape_cast %mul3A_126 : vector<16xf32> to vector<1x16xf32>
        tpu.vector_store %arg14[%swap3A_127, %swap3A_128], %swap3A_131 {strides = array<i32>} : memref<80x32xf32, #tpu.memory_space<vmem>>, vector<1x16xf32>,
        %scan3A_132 = arith.constant 0 : i32
        %scan3A_133 = arith.constant 1 : i32
        %scan3A_134 = arith.addi %scan3A_102, %scan3A_133 : i32
        %get3A_135 = arith.index_cast %scan3A_134 : i32 to index
        %get3A_136 = arith.constant 0 : index
        %get3A_137 = tpu.vector_load %arg14[%get3A_135, %get3A_136] {strides = array<i32>} : memref<80x32xf32, #tpu.memory_space<vmem>>, vector<1x16xf32>,
        %get3A_138 = vector.shape_cast %get3A_137 : vector<1x16xf32> to vector<16xf32>
        %get3A_139 = arith.index_cast %scan3A_134 : i32 to index
        %get3A_140 = arith.constant 0 : index
        %get3A_141 = tpu.vector_load %arg13[%get3A_139, %get3A_140] {strides = array<i32>} : memref<80x32xf32, #tpu.memory_space<vmem>>, vector<1x16xf32>,
        %get3A_142 = vector.shape_cast %get3A_141 : vector<1x16xf32> to vector<16xf32>
        %mul3A_143 = arith.mulf %get3A_138, %get3A_142 : vector<16xf32>
        %swap3A_144 = arith.index_cast %scan3A_134 : i32 to index
        %swap3A_145 = arith.constant 0 : index
        %swap3A_146 = tpu.vector_load %arg14[%swap3A_144, %swap3A_145] {strides = array<i32>} : memref<80x32xf32, #tpu.memory_space<vmem>>, vector<1x16xf32>,
        %swap3A_147 = vector.shape_cast %swap3A_146 : vector<1x16xf32> to vector<16xf32>
        %swap3A_148 = vector.shape_cast %mul3A_143 : vector<16xf32> to vector<1x16xf32>
        tpu.vector_store %arg14[%swap3A_144, %swap3A_145], %swap3A_148 {strides = array<i32>} : memref<80x32xf32, #tpu.memory_space<vmem>>, vector<1x16xf32>,
        %get3A_149 = arith.index_cast %scan3A_134 : i32 to index
        %get3A_150 = arith.constant 16 : index
        %get3A_151 = tpu.vector_load %arg14[%get3A_149, %get3A_150] {strides = array<i32>} : memref<80x32xf32, #tpu.memory_space<vmem>>, vector<1x16xf32>,
        %get3A_152 = vector.shape_cast %get3A_151 : vector<1x16xf32> to vector<16xf32>
        %get3A_153 = arith.index_cast %scan3A_134 : i32 to index
        %get3A_154 = arith.constant 16 : index
        %get3A_155 = tpu.vector_load %arg13[%get3A_153, %get3A_154] {strides = array<i32>} : memref<80x32xf32, #tpu.memory_space<vmem>>, vector<1x16xf32>,
        %get3A_156 = vector.shape_cast %get3A_155 : vector<1x16xf32> to vector<16xf32>
        %mul3A_157 = arith.mulf %get3A_152, %get3A_156 : vector<16xf32>
        %swap3A_158 = arith.index_cast %scan3A_134 : i32 to index
        %swap3A_159 = arith.constant 16 : index
        %swap3A_160 = tpu.vector_load %arg14[%swap3A_158, %swap3A_159] {strides = array<i32>} : memref<80x32xf32, #tpu.memory_space<vmem>>, vector<1x16xf32>,
        %swap3A_161 = vector.shape_cast %swap3A_160 : vector<1x16xf32> to vector<16xf32>
        %swap3A_162 = vector.shape_cast %mul3A_157 : vector<16xf32> to vector<1x16xf32>
        tpu.vector_store %arg14[%swap3A_158, %swap3A_159], %swap3A_162 {strides = array<i32>} : memref<80x32xf32, #tpu.memory_space<vmem>>, vector<1x16xf32>,
        %scan3A_163 = arith.constant 0 : i32
        %scan3A_164 = arith.constant 2 : i32
        %scan3A_165 = arith.addi %scan3A_102, %scan3A_164 : i32
        %get3A_166 = arith.index_cast %scan3A_165 : i32 to index
        %get3A_167 = arith.constant 0 : index
        %get3A_168 = tpu.vector_load %arg14[%get3A_166, %get3A_167] {strides = array<i32>} : memref<80x32xf32, #tpu.memory_space<vmem>>, vector<1x16xf32>,
        %get3A_169 = vector.shape_cast %get3A_168 : vector<1x16xf32> to vector<16xf32>
        %get3A_170 = arith.index_cast %scan3A_165 : i32 to index
        %get3A_171 = arith.constant 0 : index
        %get3A_172 = tpu.vector_load %arg13[%get3A_170, %get3A_171] {strides = array<i32>} : memref<80x32xf32, #tpu.memory_space<vmem>>, vector<1x16xf32>,
        %get3A_173 = vector.shape_cast %get3A_172 : vector<1x16xf32> to vector<16xf32>
        %mul3A_174 = arith.mulf %get3A_169, %get3A_173 : vector<16xf32>
        %swap3A_175 = arith.index_cast %scan3A_165 : i32 to index
        %swap3A_176 = arith.constant 0 : index
        %swap3A_177 = tpu.vector_load %arg14[%swap3A_175, %swap3A_176] {strides = array<i32>} : memref<80x32xf32, #tpu.memory_space<vmem>>, vector<1x16xf32>,
        %swap3A_178 = vector.shape_cast %swap3A_177 : vector<1x16xf32> to vector<16xf32>
        %swap3A_179 = vector.shape_cast %mul3A_174 : vector<16xf32> to vector<1x16xf32>
        tpu.vector_store %arg14[%swap3A_175, %swap3A_176], %swap3A_179 {strides = array<i32>} : memref<80x32xf32, #tpu.memory_space<vmem>>, vector<1x16xf32>,
        %get3A_180 = arith.index_cast %scan3A_165 : i32 to index
        %get3A_181 = arith.constant 16 : index
        %get3A_182 = tpu.vector_load %arg14[%get3A_180, %get3A_181] {strides = array<i32>} : memref<80x32xf32, #tpu.memory_space<vmem>>, vector<1x16xf32>,
        %get3A_183 = vector.shape_cast %get3A_182 : vector<1x16xf32> to vector<16xf32>
        %get3A_184 = arith.index_cast %scan3A_165 : i32 to index
        %get3A_185 = arith.constant 16 : index
        %get3A_186 = tpu.vector_load %arg13[%get3A_184, %get3A_185] {strides = array<i32>} : memref<80x32xf32, #tpu.memory_space<vmem>>, vector<1x16xf32>,
        %get3A_187 = vector.shape_cast %get3A_186 : vector<1x16xf32> to vector<16xf32>
        %mul3A_188 = arith.mulf %get3A_183, %get3A_187 : vector<16xf32>
        %swap3A_189 = arith.index_cast %scan3A_165 : i32 to index
        %swap3A_190 = arith.constant 16 : index
        %swap3A_191 = tpu.vector_load %arg14[%swap3A_189, %swap3A_190] {strides = array<i32>} : memref<80x32xf32, #tpu.memory_space<vmem>>, vector<1x16xf32>,
        %swap3A_192 = vector.shape_cast %swap3A_191 : vector<1x16xf32> to vector<16xf32>
        %swap3A_193 = vector.shape_cast %mul3A_188 : vector<16xf32> to vector<1x16xf32>
        tpu.vector_store %arg14[%swap3A_189, %swap3A_190], %swap3A_193 {strides = array<i32>} : memref<80x32xf32, #tpu.memory_space<vmem>>, vector<1x16xf32>,
        %scan3A_194 = arith.constant 0 : i32
        %scan3A_195 = arith.constant 3 : i32
        %scan3A_196 = arith.addi %scan3A_102, %scan3A_195 : i32
        %get3A_197 = arith.index_cast %scan3A_196 : i32 to index
        %get3A_198 = arith.constant 0 : index
        %get3A_199 = tpu.vector_load %arg14[%get3A_197, %get3A_198] {strides = array<i32>} : memref<80x32xf32, #tpu.memory_space<vmem>>, vector<1x16xf32>,
        %get3A_200 = vector.shape_cast %get3A_199 : vector<1x16xf32> to vector<16xf32>
        %get3A_201 = arith.index_cast %scan3A_196 : i32 to index
        %get3A_202 = arith.constant 0 : index
        %get3A_203 = tpu.vector_load %arg13[%get3A_201, %get3A_202] {strides = array<i32>} : memref<80x32xf32, #tpu.memory_space<vmem>>, vector<1x16xf32>,
        %get3A_204 = vector.shape_cast %get3A_203 : vector<1x16xf32> to vector<16xf32>
        %mul3A_205 = arith.mulf %get3A_200, %get3A_204 : vector<16xf32>
        %swap3A_206 = arith.index_cast %scan3A_196 : i32 to index
        %swap3A_207 = arith.constant 0 : index
        %swap3A_208 = tpu.vector_load %arg14[%swap3A_206, %swap3A_207] {strides = array<i32>} : memref<80x32xf32, #tpu.memory_space<vmem>>, vector<1x16xf32>,
        %swap3A_209 = vector.shape_cast %swap3A_208 : vector<1x16xf32> to vector<16xf32>
        %swap3A_210 = vector.shape_cast %mul3A_205 : vector<16xf32> to vector<1x16xf32>
        tpu.vector_store %arg14[%swap3A_206, %swap3A_207], %swap3A_210 {strides = array<i32>} : memref<80x32xf32, #tpu.memory_space<vmem>>, vector<1x16xf32>,
        %get3A_211 = arith.index_cast %scan3A_196 : i32 to index
        %get3A_212 = arith.constant 16 : index
        %get3A_213 = tpu.vector_load %arg14[%get3A_211, %get3A_212] {strides = array<i32>} : memref<80x32xf32, #tpu.memory_space<vmem>>, vector<1x16xf32>,
        %get3A_214 = vector.shape_cast %get3A_213 : vector<1x16xf32> to vector<16xf32>
        %get3A_215 = arith.index_cast %scan3A_196 : i32 to index
        %get3A_216 = arith.constant 16 : index
        %get3A_217 = tpu.vector_load %arg13[%get3A_215, %get3A_216] {strides = array<i32>} : memref<80x32xf32, #tpu.memory_space<vmem>>, vector<1x16xf32>,
        %get3A_218 = vector.shape_cast %get3A_217 : vector<1x16xf32> to vector<16xf32>
        %mul3A_219 = arith.mulf %get3A_214, %get3A_218 : vector<16xf32>
        %swap3A_220 = arith.index_cast %scan3A_196 : i32 to index
        %swap3A_221 = arith.constant 16 : index
        %swap3A_222 = tpu.vector_load %arg14[%swap3A_220, %swap3A_221] {strides = array<i32>} : memref<80x32xf32, #tpu.memory_space<vmem>>, vector<1x16xf32>,
        %swap3A_223 = vector.shape_cast %swap3A_222 : vector<1x16xf32> to vector<16xf32>
        %swap3A_224 = vector.shape_cast %mul3A_219 : vector<16xf32> to vector<1x16xf32>
        tpu.vector_store %arg14[%swap3A_220, %swap3A_221], %swap3A_224 {strides = array<i32>} : memref<80x32xf32, #tpu.memory_space<vmem>>, vector<1x16xf32>,
        %scan3A_225 = arith.constant 0 : i32
        scf.yield %scan3A_225 : i32
      }
      %scan3A_85 = arith.constant 80 : i32
      "tpu.region"() ({
        %run_scoped3A = tpu.sem_alloc : memref<!tpu.dma_semaphore, #tpu.memory_space<semaphore_mem>>
        %dma_start3A_102 = arith.constant 0 : i32
        %dma_start3A_103 = arith.constant 0 : i32
        %dma_start3A_104 = tpu.memref_slice %arg16[%dma_start3A_102, %dma_start3A_103] : memref<50000x32xf32, #tpu.memory_space<vmem_shared>> -> memref<50000x32xf32, #tpu.memory_space<vmem_shared>>
        tpu.enqueue_indirect_dma source(%arg14 : memref<80x32xf32, #tpu.memory_space<vmem>>) target(%dma_start3A_104 : memref<50000x32xf32, #tpu.memory_space<vmem_shared>>) offsets(%arg12 : memref<80xi32, #tpu.memory_space<vmem>>) semaphore(%run_scoped3A : memref<!tpu.dma_semaphore, #tpu.memory_space<semaphore_mem>>) {add = true}
        %dma_wait3A_105 = arith.constant 0 : i32
        %dma_wait3A_106 = arith.constant 0 : i32
        %dma_wait3A_107 = tpu.memref_slice %arg16[%dma_wait3A_105, %dma_wait3A_106] : memref<50000x32xf32, #tpu.memory_space<vmem_shared>> -> memref<50000x32xf32, #tpu.memory_space<vmem_shared>>
        tpu.wait_indirect_dma semaphore(%run_scoped3A : memref<!tpu.dma_semaphore, #tpu.memory_space<semaphore_mem>>) src(%arg14 : memref<80x32xf32, #tpu.memory_space<vmem>>) dst(%dma_wait3A_107 : memref<50000x32xf32, #tpu.memory_space<vmem_shared>>)
        tpu.yield
      }) : () -> ()
      %jit3A = arith.constant 2 : i32
      %eq3A_86 = arith.constant 0 : i32
      %eq3A_87 = arith.cmpi eq, %jit3A, %eq3A_86 : i32
      %jit3A_88 = arith.constant 1 : i32
      %select_n3A = arith.select %eq3A_87, %jit3A_88, %jit3A : i32
      %rem3A = arith.remsi %scan3A_26, %select_n3A : i32
      %ne3A = arith.constant 0 : i32
      %ne3A_89 = arith.cmpi ne, %rem3A, %ne3A : i32
      %lt3A_90 = arith.constant 0 : i32
      %lt3A_91 = arith.cmpi slt, %rem3A, %lt3A_90 : i32
      %lt3A_92 = arith.constant 0 : i32
      %lt3A_93 = arith.cmpi slt, %select_n3A, %lt3A_92 : i32
      %ne3A_94 = arith.xori %lt3A_91, %lt3A_93 : i1
      %and3A = arith.andi %ne3A_94, %ne3A_89 : i1
      %add3A_95 = arith.addi %rem3A, %select_n3A : i32
      %select_n3A_96 = arith.select %and3A, %add3A_95, %rem3A : i32
      %eq3A_97 = arith.cmpi eq, %select_n3A_96, %arg0 : i32
      %convert_element_type3A_98 = arith.extui %eq3A_97 : i1 to i32
      %cond3A_99 = arith.constant 0 : i32
      %cond3A_100 = arith.cmpi ne, %convert_element_type3A_98, %cond3A_99 : i32
      scf.if %cond3A_100 {
        "tpu.region"() ({
          %run_scoped3A = tpu.sem_alloc : memref<!tpu.dma_semaphore, #tpu.memory_space<semaphore_mem>>
          %dma_start3A_102 = arith.constant 0 : i32
          %dma_start3A_103 = arith.constant 0 : i32
          %dma_start3A_104 = tpu.memref_slice %arg17[%dma_start3A_102, %dma_start3A_103] : memref<50000x8xf32, #tpu.memory_space<vmem_shared>> -> memref<50000x8xf32, #tpu.memory_space<vmem_shared>>
          tpu.enqueue_indirect_dma source(%arg15 : memref<80x8xf32, #tpu.memory_space<vmem>>) target(%dma_start3A_104 : memref<50000x8xf32, #tpu.memory_space<vmem_shared>>) offsets(%arg12 : memref<80xi32, #tpu.memory_space<vmem>>) semaphore(%run_scoped3A : memref<!tpu.dma_semaphore, #tpu.memory_space<semaphore_mem>>) {add = true}
          %dma_wait3A_105 = arith.constant 0 : i32
          %dma_wait3A_106 = arith.constant 0 : i32
          %dma_wait3A_107 = tpu.memref_slice %arg17[%dma_wait3A_105, %dma_wait3A_106] : memref<50000x8xf32, #tpu.memory_space<vmem_shared>> -> memref<50000x8xf32, #tpu.memory_space<vmem_shared>>
          tpu.wait_indirect_dma semaphore(%run_scoped3A : memref<!tpu.dma_semaphore, #tpu.memory_space<semaphore_mem>>) src(%arg15 : memref<80x8xf32, #tpu.memory_space<vmem>>) dst(%dma_wait3A_107 : memref<50000x8xf32, #tpu.memory_space<vmem_shared>>)
          tpu.yield
        }) : () -> ()
      } else {
      }
      %scan3A_101 = arith.constant 0 : i32
      scf.yield %scan3A_101 : i32
    }
    %scan3A_14 = arith.constant 625 : i32
    %barrier3A_15 = arith.constant 0 : index
    tpu.barrier barrier_id(%barrier3A_15)
    %lt3A_16 = arith.constant 15 : i32
    %lt3A_17 = arith.cmpi slt, %arg1, %lt3A_16 : i32
    %convert_element_type3A_18 = arith.extui %lt3A_17 : i1 to i32
    %cond3A_19 = arith.constant 0 : i32
    %cond3A_20 = arith.cmpi ne, %convert_element_type3A_18, %cond3A_19 : i32
    scf.if %cond3A_20 {
      "tpu.region"() ({
        %run_scoped3A = tpu.sem_alloc : memref<!tpu.dma_semaphore, #tpu.memory_space<semaphore_mem>>
        %dma_start3A = arith.constant 0 : i32
        %dma_start3A_26 = tpu.memref_slice %arg9[%arg0, %mul3A_0, %dma_start3A] : memref<2x50000x32xf32, #tpu.memory_space<hbm>> -> memref<1x3128x32xf32, #tpu.memory_space<hbm>>
        %dma_start3A_27 = tpu.memref_squeeze %dma_start3A_26 : memref<1x3128x32xf32, #tpu.memory_space<hbm>> -> memref<3128x32xf32, #tpu.memory_space<hbm>>
        %dma_start3A_28 = arith.constant 0 : i32
        %dma_start3A_29 = tpu.memref_slice %arg16[%mul3A_0, %dma_start3A_28] : memref<50000x32xf32, #tpu.memory_space<vmem_shared>> -> memref<3128x32xf32, #tpu.memory_space<vmem_shared>>
        tpu.enqueue_dma source(%dma_start3A_29 : memref<3128x32xf32, #tpu.memory_space<vmem_shared>>) target(%dma_start3A_27 : memref<3128x32xf32, #tpu.memory_space<hbm>>) target_semaphore(%run_scoped3A : memref<!tpu.dma_semaphore, #tpu.memory_space<semaphore_mem>>)
        %dma_wait3A = arith.constant 0 : i32
        %dma_wait3A_30 = tpu.memref_slice %arg9[%arg0, %mul3A_0, %dma_wait3A] : memref<2x50000x32xf32, #tpu.memory_space<hbm>> -> memref<1x3128x32xf32, #tpu.memory_space<hbm>>
        %dma_wait3A_31 = tpu.memref_squeeze %dma_wait3A_30 : memref<1x3128x32xf32, #tpu.memory_space<hbm>> -> memref<3128x32xf32, #tpu.memory_space<hbm>>
        %dma_wait3A_32 = arith.constant 0 : i32
        %dma_wait3A_33 = tpu.memref_slice %arg16[%mul3A_0, %dma_wait3A_32] : memref<50000x32xf32, #tpu.memory_space<vmem_shared>> -> memref<3128x32xf32, #tpu.memory_space<vmem_shared>>
        tpu.wait_dma2 semaphore(%run_scoped3A : memref<!tpu.dma_semaphore, #tpu.memory_space<semaphore_mem>>) src(%dma_wait3A_33 : memref<3128x32xf32, #tpu.memory_space<vmem_shared>>) dst(%dma_wait3A_31 : memref<3128x32xf32, #tpu.memory_space<hbm>>)
        tpu.yield
      }) : () -> ()
      "tpu.region"() ({
        %run_scoped3A = tpu.sem_alloc : memref<!tpu.dma_semaphore, #tpu.memory_space<semaphore_mem>>
        %dma_start3A = arith.constant 0 : i32
        %dma_start3A_26 = tpu.memref_slice %arg10[%arg0, %mul3A_0, %dma_start3A] : memref<2x50000x8xf32, #tpu.memory_space<hbm>> -> memref<1x3128x8xf32, #tpu.memory_space<hbm>>
        %dma_start3A_27 = tpu.memref_squeeze %dma_start3A_26 : memref<1x3128x8xf32, #tpu.memory_space<hbm>> -> memref<3128x8xf32, #tpu.memory_space<hbm>>
        %dma_start3A_28 = arith.constant 0 : i32
        %dma_start3A_29 = tpu.memref_slice %arg17[%mul3A_0, %dma_start3A_28] : memref<50000x8xf32, #tpu.memory_space<vmem_shared>> -> memref<3128x8xf32, #tpu.memory_space<vmem_shared>>
        tpu.enqueue_dma source(%dma_start3A_29 : memref<3128x8xf32, #tpu.memory_space<vmem_shared>>) target(%dma_start3A_27 : memref<3128x8xf32, #tpu.memory_space<hbm>>) target_semaphore(%run_scoped3A : memref<!tpu.dma_semaphore, #tpu.memory_space<semaphore_mem>>)
        %dma_wait3A = arith.constant 0 : i32
        %dma_wait3A_30 = tpu.memref_slice %arg10[%arg0, %mul3A_0, %dma_wait3A] : memref<2x50000x8xf32, #tpu.memory_space<hbm>> -> memref<1x3128x8xf32, #tpu.memory_space<hbm>>
        %dma_wait3A_31 = tpu.memref_squeeze %dma_wait3A_30 : memref<1x3128x8xf32, #tpu.memory_space<hbm>> -> memref<3128x8xf32, #tpu.memory_space<hbm>>
        %dma_wait3A_32 = arith.constant 0 : i32
        %dma_wait3A_33 = tpu.memref_slice %arg17[%mul3A_0, %dma_wait3A_32] : memref<50000x8xf32, #tpu.memory_space<vmem_shared>> -> memref<3128x8xf32, #tpu.memory_space<vmem_shared>>
        tpu.wait_dma2 semaphore(%run_scoped3A : memref<!tpu.dma_semaphore, #tpu.memory_space<semaphore_mem>>) src(%dma_wait3A_33 : memref<3128x8xf32, #tpu.memory_space<vmem_shared>>) dst(%dma_wait3A_31 : memref<3128x8xf32, #tpu.memory_space<hbm>>)
        tpu.yield
      }) : () -> ()
    } else {
    }
    %eq3A_21 = arith.constant 15 : i32
    %eq3A_22 = arith.cmpi eq, %arg1, %eq3A_21 : i32
    %convert_element_type3A_23 = arith.extui %eq3A_22 : i1 to i32
    %cond3A_24 = arith.constant 0 : i32
    %cond3A_25 = arith.cmpi ne, %convert_element_type3A_23, %cond3A_24 : i32
    scf.if %cond3A_25 {
      "tpu.region"() ({
        %run_scoped3A = tpu.sem_alloc : memref<!tpu.dma_semaphore, #tpu.memory_space<semaphore_mem>>
        %dma_start3A = arith.constant 0 : i32
        %dma_start3A_26 = tpu.memref_slice %arg9[%arg0, %mul3A_0, %dma_start3A] : memref<2x50000x32xf32, #tpu.memory_space<hbm>> -> memref<1x3080x32xf32, #tpu.memory_space<hbm>>
        %dma_start3A_27 = tpu.memref_squeeze %dma_start3A_26 : memref<1x3080x32xf32, #tpu.memory_space<hbm>> -> memref<3080x32xf32, #tpu.memory_space<hbm>>
        %dma_start3A_28 = arith.constant 0 : i32
        %dma_start3A_29 = tpu.memref_slice %arg16[%mul3A_0, %dma_start3A_28] : memref<50000x32xf32, #tpu.memory_space<vmem_shared>> -> memref<3080x32xf32, #tpu.memory_space<vmem_shared>>
        tpu.enqueue_dma source(%dma_start3A_29 : memref<3080x32xf32, #tpu.memory_space<vmem_shared>>) target(%dma_start3A_27 : memref<3080x32xf32, #tpu.memory_space<hbm>>) target_semaphore(%run_scoped3A : memref<!tpu.dma_semaphore, #tpu.memory_space<semaphore_mem>>)
        %dma_wait3A = arith.constant 0 : i32
        %dma_wait3A_30 = tpu.memref_slice %arg9[%arg0, %mul3A_0, %dma_wait3A] : memref<2x50000x32xf32, #tpu.memory_space<hbm>> -> memref<1x3080x32xf32, #tpu.memory_space<hbm>>
        %dma_wait3A_31 = tpu.memref_squeeze %dma_wait3A_30 : memref<1x3080x32xf32, #tpu.memory_space<hbm>> -> memref<3080x32xf32, #tpu.memory_space<hbm>>
        %dma_wait3A_32 = arith.constant 0 : i32
        %dma_wait3A_33 = tpu.memref_slice %arg16[%mul3A_0, %dma_wait3A_32] : memref<50000x32xf32, #tpu.memory_space<vmem_shared>> -> memref<3080x32xf32, #tpu.memory_space<vmem_shared>>
        tpu.wait_dma2 semaphore(%run_scoped3A : memref<!tpu.dma_semaphore, #tpu.memory_space<semaphore_mem>>) src(%dma_wait3A_33 : memref<3080x32xf32, #tpu.memory_space<vmem_shared>>) dst(%dma_wait3A_31 : memref<3080x32xf32, #tpu.memory_space<hbm>>)
        tpu.yield
      }) : () -> ()
      "tpu.region"() ({
        %run_scoped3A = tpu.sem_alloc : memref<!tpu.dma_semaphore, #tpu.memory_space<semaphore_mem>>
        %dma_start3A = arith.constant 0 : i32
        %dma_start3A_26 = tpu.memref_slice %arg10[%arg0, %mul3A_0, %dma_start3A] : memref<2x50000x8xf32, #tpu.memory_space<hbm>> -> memref<1x3080x8xf32, #tpu.memory_space<hbm>>
        %dma_start3A_27 = tpu.memref_squeeze %dma_start3A_26 : memref<1x3080x8xf32, #tpu.memory_space<hbm>> -> memref<3080x8xf32, #tpu.memory_space<hbm>>
        %dma_start3A_28 = arith.constant 0 : i32
        %dma_start3A_29 = tpu.memref_slice %arg17[%mul3A_0, %dma_start3A_28] : memref<50000x8xf32, #tpu.memory_space<vmem_shared>> -> memref<3080x8xf32, #tpu.memory_space<vmem_shared>>
        tpu.enqueue_dma source(%dma_start3A_29 : memref<3080x8xf32, #tpu.memory_space<vmem_shared>>) target(%dma_start3A_27 : memref<3080x8xf32, #tpu.memory_space<hbm>>) target_semaphore(%run_scoped3A : memref<!tpu.dma_semaphore, #tpu.memory_space<semaphore_mem>>)
        %dma_wait3A = arith.constant 0 : i32
        %dma_wait3A_30 = tpu.memref_slice %arg10[%arg0, %mul3A_0, %dma_wait3A] : memref<2x50000x8xf32, #tpu.memory_space<hbm>> -> memref<1x3080x8xf32, #tpu.memory_space<hbm>>
        %dma_wait3A_31 = tpu.memref_squeeze %dma_wait3A_30 : memref<1x3080x8xf32, #tpu.memory_space<hbm>> -> memref<3080x8xf32, #tpu.memory_space<hbm>>
        %dma_wait3A_32 = arith.constant 0 : i32
        %dma_wait3A_33 = tpu.memref_slice %arg17[%mul3A_0, %dma_wait3A_32] : memref<50000x8xf32, #tpu.memory_space<vmem_shared>> -> memref<3080x8xf32, #tpu.memory_space<vmem_shared>>
        tpu.wait_dma2 semaphore(%run_scoped3A : memref<!tpu.dma_semaphore, #tpu.memory_space<semaphore_mem>>) src(%dma_wait3A_33 : memref<3080x8xf32, #tpu.memory_space<vmem_shared>>) dst(%dma_wait3A_31 : memref<3080x8xf32, #tpu.memory_space<hbm>>)
        tpu.yield
      }) : () -> ()
    } else {
    }
    return
  }
}

module attributes {stable_mosaic.version = 14 : i64} {
  func.func @_edge_mlp_body(%arg0: i32, %arg1: memref<6400x128xf32, #tpu.memory_space<vmem>>, %arg2: memref<6400x64xf32, #tpu.memory_space<vmem>>, %arg3: memref<128x64xf32, #tpu.memory_space<vmem>>, %arg4: memref<1x64xf32, #tpu.memory_space<vmem>>, %arg5: memref<64x64xf32, #tpu.memory_space<vmem>>, %arg6: memref<1x64xf32, #tpu.memory_space<vmem>>, %arg7: memref<2x6400x32xf32, #tpu.memory_space<vmem>>) attributes {dimension_semantics = [#tpu.dimension_semantics<arbitrary>], iteration_bounds = array<i64: 125>, scalar_prefetch = 0 : i64, scratch_operands = 0 : i64, tpu.core_type = #tpu.core_type<tc>, window_params = [{transform_indices = @transform_0, window_bounds = array<i64: 6400, 128>}, {transform_indices = @transform_1, window_bounds = array<i64: 6400, 64>}, {pipeline_mode = #tpu.pipeline_mode<synchronous>, transform_indices = @transform_2, window_bounds = array<i64: 128, 64>}, {pipeline_mode = #tpu.pipeline_mode<synchronous>, transform_indices = @transform_3, window_bounds = array<i64: 1, 64>}, {pipeline_mode = #tpu.pipeline_mode<synchronous>, transform_indices = @transform_4, window_bounds = array<i64: 64, 64>}, {pipeline_mode = #tpu.pipeline_mode<synchronous>, transform_indices = @transform_5, window_bounds = array<i64: 1, 64>}, {transform_indices = @transform_6, window_bounds = array<i64: 2, 6400, 32>}]} {
    %get3A = arith.constant 0 : index
    %get3A_0 = arith.constant 0 : index
    %get3A_1 = vector.load %arg1[%get3A, %get3A_0] : memref<6400x128xf32, #tpu.memory_space<vmem>>, vector<6400x128xf32>
    %get3A_2 = arith.constant 0 : index
    %get3A_3 = arith.constant 0 : index
    %get3A_4 = vector.load %arg3[%get3A_2, %get3A_3] : memref<128x64xf32, #tpu.memory_space<vmem>>, vector<128x64xf32>
    %dot_general3A = arith.constant dense<0.000000e+00> : vector<6400x64xf32>
    %dot_general3A_5 = tpu.matmul %get3A_1, %get3A_4, %dot_general3A {dimension_numbers = #tpu.dot_dimension_numbers<[1], [0], [0], [1], [0, 0, 1, 1], [], []>, transpose_lhs_hint = false} : vector<6400x128xf32>, vector<128x64xf32>, vector<6400x64xf32> -> vector<6400x64xf32>
    %get3A_6 = arith.constant 0 : index
    %get3A_7 = arith.constant 0 : index
    %get3A_8 = vector.load %arg4[%get3A_6, %get3A_7] : memref<1x64xf32, #tpu.memory_space<vmem>>, vector<1x64xf32>
    %add3A = vector.broadcast %get3A_8 : vector<1x64xf32> to vector<6400x64xf32>
    %add3A_9 = arith.addf %dot_general3A_5, %add3A : vector<6400x64xf32>
    %min3A = arith.constant 6.000000e+01 : f32
    %min3A_10 = vector.broadcast %min3A : f32 to vector<6400x64xf32>
    %min3A_11 = arith.minimumf %add3A_9, %min3A_10 : vector<6400x64xf32>
    %exp3A = math.exp %min3A_11 : vector<6400x64xf32>
    %add3A_12 = arith.constant 1.000000e+00 : f32
    %add3A_13 = vector.broadcast %add3A_12 : f32 to vector<6400x64xf32>
    %add3A_14 = arith.addf %add3A_13, %exp3A : vector<6400x64xf32>
    %log3A = math.log %add3A_14 : vector<6400x64xf32>
    %max3A = arith.maximumf %log3A, %add3A_9 : vector<6400x64xf32>
    %sub3A = arith.constant 0.693147182 : f32
    %sub3A_15 = vector.broadcast %sub3A : f32 to vector<6400x64xf32>
    %sub3A_16 = arith.subf %max3A, %sub3A_15 : vector<6400x64xf32>
    %get3A_17 = arith.constant 0 : index
    %get3A_18 = arith.constant 0 : index
    %get3A_19 = vector.load %arg5[%get3A_17, %get3A_18] : memref<64x64xf32, #tpu.memory_space<vmem>>, vector<64x64xf32>
    %dot_general3A_20 = arith.constant dense<0.000000e+00> : vector<6400x64xf32>
    %dot_general3A_21 = tpu.matmul %sub3A_16, %get3A_19, %dot_general3A_20 {dimension_numbers = #tpu.dot_dimension_numbers<[1], [0], [0], [1], [0, 0, 1, 1], [], []>, transpose_lhs_hint = false} : vector<6400x64xf32>, vector<64x64xf32>, vector<6400x64xf32> -> vector<6400x64xf32>
    %get3A_22 = arith.constant 0 : index
    %get3A_23 = arith.constant 0 : index
    %get3A_24 = vector.load %arg6[%get3A_22, %get3A_23] : memref<1x64xf32, #tpu.memory_space<vmem>>, vector<1x64xf32>
    %add3A_25 = vector.broadcast %get3A_24 : vector<1x64xf32> to vector<6400x64xf32>
    %add3A_26 = arith.addf %dot_general3A_21, %add3A_25 : vector<6400x64xf32>
    %min3A_27 = arith.constant 6.000000e+01 : f32
    %min3A_28 = vector.broadcast %min3A_27 : f32 to vector<6400x64xf32>
    %min3A_29 = arith.minimumf %add3A_26, %min3A_28 : vector<6400x64xf32>
    %exp3A_30 = math.exp %min3A_29 : vector<6400x64xf32>
    %add3A_31 = arith.constant 1.000000e+00 : f32
    %add3A_32 = vector.broadcast %add3A_31 : f32 to vector<6400x64xf32>
    %add3A_33 = arith.addf %add3A_32, %exp3A_30 : vector<6400x64xf32>
    %log3A_34 = math.log %add3A_33 : vector<6400x64xf32>
    %max3A_35 = arith.maximumf %log3A_34, %add3A_26 : vector<6400x64xf32>
    %sub3A_36 = arith.constant 0.693147182 : f32
    %sub3A_37 = vector.broadcast %sub3A_36 : f32 to vector<6400x64xf32>
    %sub3A_38 = arith.subf %max3A_35, %sub3A_37 : vector<6400x64xf32>
    %get3A_39 = arith.constant 0 : index
    %get3A_40 = arith.constant 0 : index
    %get3A_41 = vector.load %arg2[%get3A_39, %get3A_40] : memref<6400x64xf32, #tpu.memory_space<vmem>>, vector<6400x64xf32>
    %mul3A = arith.mulf %sub3A_38, %get3A_41 : vector<6400x64xf32>
    %slice3A = vector.extract_strided_slice %mul3A {offsets = [0, 0], sizes = [6400, 32], strides = [1, 1]} : vector<6400x64xf32> to vector<6400x32xf32>
    %swap3A = arith.constant 0 : index
    %swap3A_42 = arith.constant 0 : index
    %swap3A_43 = arith.constant 0 : index
    %swap3A_44 = vector.load %arg7[%swap3A, %swap3A_42, %swap3A_43] : memref<2x6400x32xf32, #tpu.memory_space<vmem>>, vector<1x6400x32xf32>
    %swap3A_45 = vector.shape_cast %swap3A_44 : vector<1x6400x32xf32> to vector<6400x32xf32>
    %swap3A_46 = vector.shape_cast %slice3A : vector<6400x32xf32> to vector<1x6400x32xf32>
    tpu.vector_store %arg7[%swap3A, %swap3A_42, %swap3A_43], %swap3A_46 {strides = array<i32>} : memref<2x6400x32xf32, #tpu.memory_space<vmem>>, vector<1x6400x32xf32>,
    %slice3A_47 = vector.extract_strided_slice %mul3A {offsets = [0, 32], sizes = [6400, 32], strides = [1, 1]} : vector<6400x64xf32> to vector<6400x32xf32>
    %swap3A_48 = arith.constant 1 : index
    %swap3A_49 = arith.constant 0 : index
    %swap3A_50 = arith.constant 0 : index
    %swap3A_51 = vector.load %arg7[%swap3A_48, %swap3A_49, %swap3A_50] : memref<2x6400x32xf32, #tpu.memory_space<vmem>>, vector<1x6400x32xf32>
    %swap3A_52 = vector.shape_cast %swap3A_51 : vector<1x6400x32xf32> to vector<6400x32xf32>
    %swap3A_53 = vector.shape_cast %slice3A_47 : vector<6400x32xf32> to vector<1x6400x32xf32>
    tpu.vector_store %arg7[%swap3A_48, %swap3A_49, %swap3A_50], %swap3A_53 {strides = array<i32>} : memref<2x6400x32xf32, #tpu.memory_space<vmem>>, vector<1x6400x32xf32>,
    return
  }
  func.func @transform_0(%arg0: i32) -> (i32, i32) {
    %c0_i32 = arith.constant 0 : i32
    %c0_i32_0 = arith.constant 0 : i32
    return %arg0, %c0_i32 : i32, i32
  }
  func.func @transform_1(%arg0: i32) -> (i32, i32) {
    %c0_i32 = arith.constant 0 : i32
    %c0_i32_0 = arith.constant 0 : i32
    return %arg0, %c0_i32 : i32, i32
  }
  func.func @transform_2(%arg0: i32) -> (i32, i32) {
    %c0_i32 = arith.constant 0 : i32
    %c0_i32_0 = arith.constant 0 : i32
    %c0_i32_1 = arith.constant 0 : i32
    return %c0_i32, %c0_i32_0 : i32, i32
  }
  func.func @transform_3(%arg0: i32) -> (i32, i32) {
    %c0_i32 = arith.constant 0 : i32
    %c0_i32_0 = arith.constant 0 : i32
    %c0_i32_1 = arith.constant 0 : i32
    return %c0_i32, %c0_i32_0 : i32, i32
  }
  func.func @transform_4(%arg0: i32) -> (i32, i32) {
    %c0_i32 = arith.constant 0 : i32
    %c0_i32_0 = arith.constant 0 : i32
    %c0_i32_1 = arith.constant 0 : i32
    return %c0_i32, %c0_i32_0 : i32, i32
  }
  func.func @transform_5(%arg0: i32) -> (i32, i32) {
    %c0_i32 = arith.constant 0 : i32
    %c0_i32_0 = arith.constant 0 : i32
    %c0_i32_1 = arith.constant 0 : i32
    return %c0_i32, %c0_i32_0 : i32, i32
  }
  func.func @transform_6(%arg0: i32) -> (i32, i32, i32) {
    %c0_i32 = arith.constant 0 : i32
    %c0_i32_0 = arith.constant 0 : i32
    %c0_i32_1 = arith.constant 0 : i32
    return %c0_i32, %arg0, %c0_i32_0 : i32, i32, i32
  }
}

module attributes {stable_mosaic.version = 14 : i64} {
  func.func @_node_mlp_body(%arg0: i32, %arg1: memref<2x2000x32xf32, #tpu.memory_space<vmem>>, %arg2: memref<2x2000x8xf32, #tpu.memory_space<vmem>>, %arg3: memref<64x64xf32, #tpu.memory_space<vmem>>, %arg4: memref<1x64xf32, #tpu.memory_space<vmem>>, %arg5: memref<64x64xf32, #tpu.memory_space<vmem>>, %arg6: memref<1x64xf32, #tpu.memory_space<vmem>>, %arg7: memref<2000x64xf32, #tpu.memory_space<vmem>>) attributes {dimension_semantics = [#tpu.dimension_semantics<arbitrary>], iteration_bounds = array<i64: 25>, scalar_prefetch = 0 : i64, scratch_operands = 0 : i64, tpu.core_type = #tpu.core_type<tc>, window_params = [{transform_indices = @transform_0, window_bounds = array<i64: 2, 2000, 32>}, {transform_indices = @transform_1, window_bounds = array<i64: 2, 2000, 8>}, {pipeline_mode = #tpu.pipeline_mode<synchronous>, transform_indices = @transform_2, window_bounds = array<i64: 64, 64>}, {pipeline_mode = #tpu.pipeline_mode<synchronous>, transform_indices = @transform_3, window_bounds = array<i64: 1, 64>}, {pipeline_mode = #tpu.pipeline_mode<synchronous>, transform_indices = @transform_4, window_bounds = array<i64: 64, 64>}, {pipeline_mode = #tpu.pipeline_mode<synchronous>, transform_indices = @transform_5, window_bounds = array<i64: 1, 64>}, {transform_indices = @transform_6, window_bounds = array<i64: 2000, 64>}]} {
    %get3A = arith.constant 0 : index
    %get3A_0 = arith.constant 0 : index
    %get3A_1 = arith.constant 0 : index
    %get3A_2 = vector.load %arg1[%get3A, %get3A_0, %get3A_1] : memref<2x2000x32xf32, #tpu.memory_space<vmem>>, vector<1x2000x32xf32>
    %get3A_3 = vector.shape_cast %get3A_2 : vector<1x2000x32xf32> to vector<2000x32xf32>
    %get3A_4 = arith.constant 1 : index
    %get3A_5 = arith.constant 0 : index
    %get3A_6 = arith.constant 0 : index
    %get3A_7 = vector.load %arg1[%get3A_4, %get3A_5, %get3A_6] : memref<2x2000x32xf32, #tpu.memory_space<vmem>>, vector<1x2000x32xf32>
    %get3A_8 = vector.shape_cast %get3A_7 : vector<1x2000x32xf32> to vector<2000x32xf32>
    %concatenate3A = tpu.concatenate %get3A_3, %get3A_8 in 1 : vector<2000x32xf32>, vector<2000x32xf32> -> vector<2000x64xf32>
    %get3A_9 = arith.constant 0 : index
    %get3A_10 = arith.constant 0 : index
    %get3A_11 = arith.constant 0 : index
    %get3A_12 = vector.load %arg2[%get3A_9, %get3A_10, %get3A_11] : memref<2x2000x8xf32, #tpu.memory_space<vmem>>, vector<1x2000x1xf32>
    %get3A_13 = vector.shape_cast %get3A_12 : vector<1x2000x1xf32> to vector<2000x1xf32>
    %get3A_14 = arith.constant 1 : index
    %get3A_15 = arith.constant 0 : index
    %get3A_16 = arith.constant 0 : index
    %get3A_17 = vector.load %arg2[%get3A_14, %get3A_15, %get3A_16] : memref<2x2000x8xf32, #tpu.memory_space<vmem>>, vector<1x2000x1xf32>
    %get3A_18 = vector.shape_cast %get3A_17 : vector<1x2000x1xf32> to vector<2000x1xf32>
    %add3A = arith.addf %get3A_13, %get3A_18 : vector<2000x1xf32>
    %max3A = arith.constant 1.000000e+00 : f32
    %max3A_19 = vector.broadcast %max3A : f32 to vector<2000x1xf32>
    %max3A_20 = arith.maximumf %add3A, %max3A_19 : vector<2000x1xf32>
    %div3A = vector.broadcast %max3A_20 : vector<2000x1xf32> to vector<2000x64xf32>
    %div3A_21 = arith.divf %concatenate3A, %div3A : vector<2000x64xf32>
    %get3A_22 = arith.constant 0 : index
    %get3A_23 = arith.constant 0 : index
    %get3A_24 = vector.load %arg3[%get3A_22, %get3A_23] : memref<64x64xf32, #tpu.memory_space<vmem>>, vector<64x64xf32>
    %dot_general3A = arith.constant dense<0.000000e+00> : vector<2000x64xf32>
    %dot_general3A_25 = tpu.matmul %div3A_21, %get3A_24, %dot_general3A {dimension_numbers = #tpu.dot_dimension_numbers<[1], [0], [0], [1], [0, 0, 1, 1], [], []>, transpose_lhs_hint = false} : vector<2000x64xf32>, vector<64x64xf32>, vector<2000x64xf32> -> vector<2000x64xf32>
    %get3A_26 = arith.constant 0 : index
    %get3A_27 = arith.constant 0 : index
    %get3A_28 = vector.load %arg4[%get3A_26, %get3A_27] : memref<1x64xf32, #tpu.memory_space<vmem>>, vector<1x64xf32>
    %add3A_29 = vector.broadcast %get3A_28 : vector<1x64xf32> to vector<2000x64xf32>
    %add3A_30 = arith.addf %dot_general3A_25, %add3A_29 : vector<2000x64xf32>
    %min3A = arith.constant 6.000000e+01 : f32
    %min3A_31 = vector.broadcast %min3A : f32 to vector<2000x64xf32>
    %min3A_32 = arith.minimumf %add3A_30, %min3A_31 : vector<2000x64xf32>
    %exp3A = math.exp %min3A_32 : vector<2000x64xf32>
    %add3A_33 = arith.constant 1.000000e+00 : f32
    %add3A_34 = vector.broadcast %add3A_33 : f32 to vector<2000x64xf32>
    %add3A_35 = arith.addf %add3A_34, %exp3A : vector<2000x64xf32>
    %log3A = math.log %add3A_35 : vector<2000x64xf32>
    %max3A_36 = arith.maximumf %log3A, %add3A_30 : vector<2000x64xf32>
    %sub3A = arith.constant 0.693147182 : f32
    %sub3A_37 = vector.broadcast %sub3A : f32 to vector<2000x64xf32>
    %sub3A_38 = arith.subf %max3A_36, %sub3A_37 : vector<2000x64xf32>
    %get3A_39 = arith.constant 0 : index
    %get3A_40 = arith.constant 0 : index
    %get3A_41 = vector.load %arg5[%get3A_39, %get3A_40] : memref<64x64xf32, #tpu.memory_space<vmem>>, vector<64x64xf32>
    %dot_general3A_42 = arith.constant dense<0.000000e+00> : vector<2000x64xf32>
    %dot_general3A_43 = tpu.matmul %sub3A_38, %get3A_41, %dot_general3A_42 {dimension_numbers = #tpu.dot_dimension_numbers<[1], [0], [0], [1], [0, 0, 1, 1], [], []>, transpose_lhs_hint = false} : vector<2000x64xf32>, vector<64x64xf32>, vector<2000x64xf32> -> vector<2000x64xf32>
    %get3A_44 = arith.constant 0 : index
    %get3A_45 = arith.constant 0 : index
    %get3A_46 = vector.load %arg6[%get3A_44, %get3A_45] : memref<1x64xf32, #tpu.memory_space<vmem>>, vector<1x64xf32>
    %add3A_47 = vector.broadcast %get3A_46 : vector<1x64xf32> to vector<2000x64xf32>
    %add3A_48 = arith.addf %dot_general3A_43, %add3A_47 : vector<2000x64xf32>
    %min3A_49 = arith.constant 6.000000e+01 : f32
    %min3A_50 = vector.broadcast %min3A_49 : f32 to vector<2000x64xf32>
    %min3A_51 = arith.minimumf %add3A_48, %min3A_50 : vector<2000x64xf32>
    %exp3A_52 = math.exp %min3A_51 : vector<2000x64xf32>
    %add3A_53 = arith.constant 1.000000e+00 : f32
    %add3A_54 = vector.broadcast %add3A_53 : f32 to vector<2000x64xf32>
    %add3A_55 = arith.addf %add3A_54, %exp3A_52 : vector<2000x64xf32>
    %log3A_56 = math.log %add3A_55 : vector<2000x64xf32>
    %max3A_57 = arith.maximumf %log3A_56, %add3A_48 : vector<2000x64xf32>
    %sub3A_58 = arith.constant 0.693147182 : f32
    %sub3A_59 = vector.broadcast %sub3A_58 : f32 to vector<2000x64xf32>
    %sub3A_60 = arith.subf %max3A_57, %sub3A_59 : vector<2000x64xf32>
    %swap3A = arith.constant 0 : index
    %swap3A_61 = arith.constant 0 : index
    %swap3A_62 = vector.load %arg7[%swap3A, %swap3A_61] : memref<2000x64xf32, #tpu.memory_space<vmem>>, vector<2000x64xf32>
    tpu.vector_store %arg7[%swap3A, %swap3A_61], %sub3A_60 {strides = array<i32>} : memref<2000x64xf32, #tpu.memory_space<vmem>>, vector<2000x64xf32>,
    return
  }
  func.func @transform_0(%arg0: i32) -> (i32, i32, i32) {
    %c0_i32 = arith.constant 0 : i32
    %c0_i32_0 = arith.constant 0 : i32
    %c0_i32_1 = arith.constant 0 : i32
    return %c0_i32, %arg0, %c0_i32_0 : i32, i32, i32
  }
  func.func @transform_1(%arg0: i32) -> (i32, i32, i32) {
    %c0_i32 = arith.constant 0 : i32
    %c0_i32_0 = arith.constant 0 : i32
    %c0_i32_1 = arith.constant 0 : i32
    return %c0_i32, %arg0, %c0_i32_0 : i32, i32, i32
  }
  func.func @transform_2(%arg0: i32) -> (i32, i32) {
    %c0_i32 = arith.constant 0 : i32
    %c0_i32_0 = arith.constant 0 : i32
    %c0_i32_1 = arith.constant 0 : i32
    return %c0_i32, %c0_i32_0 : i32, i32
  }
  func.func @transform_3(%arg0: i32) -> (i32, i32) {
    %c0_i32 = arith.constant 0 : i32
    %c0_i32_0 = arith.constant 0 : i32
    %c0_i32_1 = arith.constant 0 : i32
    return %c0_i32, %c0_i32_0 : i32, i32
  }
  func.func @transform_4(%arg0: i32) -> (i32, i32) {
    %c0_i32 = arith.constant 0 : i32
    %c0_i32_0 = arith.constant 0 : i32
    %c0_i32_1 = arith.constant 0 : i32
    return %c0_i32, %c0_i32_0 : i32, i32
  }
  func.func @transform_5(%arg0: i32) -> (i32, i32) {
    %c0_i32 = arith.constant 0 : i32
    %c0_i32_0 = arith.constant 0 : i32
    %c0_i32_1 = arith.constant 0 : i32
    return %c0_i32, %c0_i32_0 : i32, i32
  }
  func.func @transform_6(%arg0: i32) -> (i32, i32) {
    %c0_i32 = arith.constant 0 : i32
    %c0_i32_0 = arith.constant 0 : i32
    return %arg0, %c0_i32 : i32, i32
  }
}

</mosaic_0001>

<sc_bundles>
// kernel: kernel.5.cloned.1.call-start
scs
__scs_entry_jumppad:
0x0: {  	(pc) =	sbr.rel $0x88, $3  }
0x1: {  	(tag) =	ssettag $0x0;
	lr =	simm.s32 $0x1  }
0x2: {  	[smem:$0x3F95] =	sst lr;
	_ =	strace $0xD0000000  }
0x3: {  	_ = 	snop  }
0x4: {  	_ = 	snop  }
0x5: {  	_ = 	snop  }
0x6: {  	_ = 	snop  }
0x7: {  	_ = 	snop  }
__scs_overlays_trampoline_lowered:
0x8: {  	[smem:$0x3FA4] =	sst s0  }
0x9: {  	[smem:$0x3FA5] =	sst s1  }
0xa: {  	[smem:$0x3FA6] =	sst s2  }
0xb: {  	[smem:$0x3FA7] =	sst s3  }
0xc: {  	[smem:$0x3FA8] =	sst s4  }
0xd: {  	[smem:$0x3FA9] =	sst s5  }
0xe: {  	[smem:$0x3FAA] =	sst s6  }
0xf: {  	[smem:$0x3FAB] =	sst s7  }
0x10: {  	[smem:$0x3FAC] =	sst s8  }
0x11: {  	[smem:$0x3FAD] =	sst s9;
	s0 =	simm.s32 @!p0 $0x0  }
0x12: {  	s1 =	sld [smem:$0x3F93];
	s0 =	simm.s32 @p0 $0x1  }
0x13: {  	[smem:$0x3FAE] =	sst s0;
	s0 =	simm.s32 @!p1 $0x0  }
0x14: {  	s2 =	sld [smem:$0x3F92];
	s0 =	simm.s32 @p1 $0x1  }
0x15: {  	[smem:$0x3FAF] =	sst s0;
	s0 =	simm.s32 @!p2 $0x0  }
0x16: {  	s3 =	sld [smem:$0x3FDB];
	s0 =	simm.s32 @p2 $0x1  }
0x17: {  	s4 =	simm.s32 $0x1BF5;
	[smem:$0x3FB1] =	sst s0  }
0x18: {  	s0 =	sld [smem:$0x3F94];
	_ =	swait.ge [sflag:s4], $0x0  }
0x19: {  	s7 =	sld [smem:$0x3F95]  }
0x1a: {  	s8 =	sadd.s32 $0xFFFFE003, lr  }
0x1b: {  	s9 =	sadd.s32 $0xFFFFFEF7, lr;
	s5 =	simm.s32 $0xFFFFFFFF;
	p2 =	slt.u32 s8, $0xFFFFF086  }
0x1c: {  	p1 =	slt.u32 s9, $0xF7A;
	s5 =	simm.s32 @!p2 $0x0  }
0x1d: {  	s5 =	simm.s32 @p1 $0x1;
	p0 =	seq.s32 s7, s2  }
0x1e: {  	s7 =	smul.u32 @!p0 $0xF7A, s2;
	p2 =	seq.s32 @!p0 s5, $0x0  }
0x1f: {  	s9 =	smul.u32 $0xF7A, s1;
	s8 =	simm.s32 @!p0 $0x1BF5;
	p2 =	por !p2, p0  }
0x20: {  	[sflag:s8] =	ssyncset.s32 @!p0 $0xFFFFF086;
	s6 =	sadd.s32 @!p0 s3, s7;
	s7 =	simm.s32 @!p0 $0x108  }
0x21: {  	s3 =	sadd.s32 s3, s9;
	s6 =	sadd.s32 @!p0 $0x88, s6;
	s7 =	simm.s32 @p2 $0x1082  }
0x22: {  	[simem:s7], [sflag:s8] =	dma.local @!p0 [hbm:s6], $0xF7A  }
0x23: {  	s9 =	sor.u32 $0xD0000000, s2;
	s6 =	simm.s32 $0x108;
	_ =	swait.ge @!p0 [sflag:s8], $0x0  }
0x24: {  	s3 =	sadd.s32 $0x88, s3;
	s6 =	simm.s32 @!p1 $0x1082;
	[sflag:s4] =	ssyncset.s32 $0xFFFFF086  }
0x25: {  	[simem:s6], [sflag:s4] =	dma.local [hbm:s3], $0xF7A  }
0x26: {  	[smem:$0x3F95] =	sst s1;
	(tag) =	ssettag s2;
	_ =	strace s9  }
0x27: {  	s1 =	sld [smem:$0x3FA5]  }
0x28: {  	s2 =	sld [smem:$0x3FA6]  }
0x29: {  	s4 =	sld [smem:$0x3FA8]  }
0x2a: {  	p0 =	seq.s32 s5, $0x0;
	s5 =	sld [smem:$0x3FA9]  }
0x2b: {  	s6 =	sld [smem:$0x3FAA]  }
0x2c: {  	s7 =	sld [smem:$0x3FAB]  }
0x2d: {  	s3 =	simm.s32 $0x108;
	s8 =	sld [smem:$0x3FAC]  }
0x2e: {  	s3 =	simm.s32 @!p0 $0x1082;
	s9 =	sld [smem:$0x3FAD]  }
0x2f: {  	lr =	sadd.s32 s0, s3;
	s0 =	sld [smem:$0x3FA4]  }
0x30: {  	s3 =	sld [smem:$0x3FA7]  }
0x31: {  	[smem:$0x3FB0] =	sst s10  }
0x32: {  	s10 =	sld [smem:$0x3FAE];
	_ =	sdelay $0x3  }
0x33: {  	p0 =	seq.s32 s10, $0x1;
	s10 =	sld [smem:$0x3FB0];
	_ =	sdelay $0x3  }
0x34: {  	[smem:$0x3FB0] =	sst s10  }
0x35: {  	s10 =	sld [smem:$0x3FAF];
	_ =	sdelay $0x3  }
0x36: {  	p1 =	seq.s32 s10, $0x1;
	s10 =	sld [smem:$0x3FB0];
	_ =	sdelay $0x3  }
0x37: {  	[smem:$0x3FB0] =	sst s10  }
0x38: {  	s10 =	sld [smem:$0x3FB1]  }
0x39: {  	_ = 	snop;
	(pc) =	sbr.ind lr, $3  }
0x3a: {  	_ = 	snop  }
0x3b: {  	_ = 	snop  }
0x3c: {  	p2 =	seq.s32 s10, $0x1;
	s10 =	sld [smem:$0x3FB0]  }
0x3d: {  	_ =	shalt  }
0x3e: {  	_ =	shalt  }
0x3f: {  	_ =	shalt  }
0x40: {  	_ =	shalt  }
0x41: {  	_ =	shalt  }
0x42: {  	_ =	shalt  }
0x43: {  	_ =	shalt  }
0x44: {  	_ =	shalt  }
0x45: {  	_ =	shalt  }
0x46: {  	_ =	shalt  }
0x47: {  	_ =	shalt  }
0x48: {  	_ =	shalt  }
0x49: {  	_ =	shalt  }
0x4a: {  	_ =	shalt  }
0x4b: {  	_ =	shalt  }
0x4c: {  	_ =	shalt  }
0x4d: {  	_ =	shalt  }
0x4e: {  	_ =	shalt  }
0x4f: {  	_ =	shalt  }
0x50: {  	_ =	shalt  }
0x51: {  	_ =	shalt  }
0x52: {  	_ =	shalt  }
0x53: {  	_ =	shalt  }
0x54: {  	_ =	shalt  }
0x55: {  	_ =	shalt  }
0x56: {  	_ =	shalt  }
0x57: {  	_ =	shalt  }
0x58: {  	_ =	shalt  }
0x59: {  	_ =	shalt  }
0x5a: {  	_ =	shalt  }
0x5b: {  	_ =	shalt  }
0x5c: {  	_ =	shalt  }
0x5d: {  	_ =	shalt  }
0x5e: {  	_ =	shalt  }
0x5f: {  	_ =	shalt  }
0x60: {  	_ =	shalt  }
0x61: {  	_ =	shalt  }
0x62: {  	_ =	shalt  }
0x63: {  	_ =	shalt  }
0x64: {  	_ =	shalt  }
0x65: {  	_ =	shalt  }
0x66: {  	_ =	shalt  }
0x67: {  	_ =	shalt  }
0x68: {  	_ =	shalt  }
0x69: {  	_ =	shalt  }
0x6a: {  	_ =	shalt  }
0x6b: {  	_ =	shalt  }
0x6c: {  	_ =	shalt  }
0x6d: {  	_ =	shalt  }
0x6e: {  	_ =	shalt  }
0x6f: {  	_ =	shalt  }
0x70: {  	_ =	shalt  }
0x71: {  	_ =	shalt  }
0x72: {  	_ =	shalt  }
0x73: {  	_ =	shalt  }
0x74: {  	_ =	shalt  }
0x75: {  	_ =	shalt  }
0x76: {  	_ =	shalt  }
0x77: {  	_ =	shalt  }
0x78: {  	_ =	shalt  }
0x79: {  	_ =	shalt  }
0x7a: {  	_ =	shalt  }
0x7b: {  	_ =	shalt  }
0x7c: {  	_ =	shalt  }
0x7d: {  	_ =	shalt  }
0x7e: {  	_ =	shalt  }
0x7f: {  	_ =	shalt  }
0x80: {  	_ =	shalt  }
0x81: {  	_ =	shalt  }
0x82: {  	_ =	shalt  }
0x83: {  	_ =	shalt  }
0x84: {  	_ =	shalt  }
0x85: {  	_ =	shalt  }
0x86: {  	_ =	shalt  }
0x87: {  	_ =	shalt  }
.Lfunc_end0:
.L_simem_size_0:
called_computation_lowered:
.L_overlay_start_0:
0x88: {  	s2 =	sld [smem:$0x3FD9]  }
0x89: {  	s3 =	sld [smem:$0x3FFE];
	_ =	sdelay $0x1  }
0x8a: {  	s1 =	srdreg.scid  }
0x8b: {  	s0 =	sand.u32 $0x1, s1  }
0x8c: {  	s17 =	sshll.u32 s0, $0xA;
	s2 =	sadd.s32 s3, s2  }
0x8d: {  	s2 =	sadd.s32 s2, s17  }
0x8e: {  	[smem:$0x3FBC] =	sst s2  }
0x8f: {  	_ = 	snop  }
0x90: {  	s2 =	sld [smem:$0x3FD0];
	(tm) =	ssettm $0x1  }
0x91: {  	s18 =	sld [smem:$0x3FFB];
	_ =	sdelay $0x3  }
0x92: {  	_ =	strace s18  }
0x93: {  	s3 =	sld [smem:$0x3FFC];
	_ =	sdelay $0x3  }
0x94: {  	_ =	strace s3  }
0x95: {  	s3 =	sld [smem:$0x3FFD];
	_ =	sdelay $0x3  }
0x96: {  	_ =	strace s3  }
0x97: {  	_ =	strace $0x8FFFFFFF  }
0x98: {  	s19 =	sld [smem:$0x3FDB];
	_ =	sdelay $0x1  }
0x99: {  	s4 =	simm.s32 $_scs_section_size  }
0x9a: {  	s5 =	simm.s32 $_size__tile_overlayer_lowered;
	s6 =	simm.s32 $_tile_overlayer_lowered  }
0x9b: {  	s22 =	simm.s32 $0x1BFF;
	s21 =	sshll.u32 s6, $0x1;
	s3 =	sadd.s32 s4, s19  }
0x9c: {  	s7 =	simm.s32 $0x0;
	s20 =	sshll.u32 s5, $0x1;
	s5 =	sadd.s32 s21, s3  }
0x9d: {  	[timem:s7], [sflag:s22] =	dma.local [hbm:s5], s20  }
0x9e: {  	_ =	swait.ge [sflag:s22], s20  }
0x9f: {  	s4 =	ssub.s32 $0x0, s20;
	[sflag:s22] =	ssyncset.done $0x0  }
0xa0: {  	[sflag:s22] =	ssyncadd.s32 s4;
	_ =	sdelay $0x1  }
0xa1: {  	s23 =	simm.s32 $0x1B8B  }
0xa2: {  	_ =	swait.ge [sflag:s23], $0x1  }
0xa3: {  	[sflag:s23] =	ssyncset.done $0x0  }
0xa4: {  	s25 =	simm.s32 $0x1B8E;
	s24 =	sld [smem:$0x3FFE];
	[sflag:s23] =	ssyncadd.s32 $0xFFFFFFFF  }
0xa5: {  	s26 =	simm.s32 $execute0_lowered;
	[smem:$0x3FD2] =	sst s25  }
0xa6: {  	s5 =	sshll.u32 s26, $0x1;
	_ =	strace $0x80000046;
	[dreg:$0x1] =	wrdreg $0xFFFFFFFF  }
0xa7: {  	s28 =	simm.s32 $_size_execute0_lowered;
	s3 =	sadd.s32 s3, s5;
	[dreg:$0x0] =	wrdreg $0x0  }
0xa8: {  	s5 =	sshll.u32 s28, $0x1;
	[dreg:$0x2] =	wrdreg s3  }
0xa9: {  	[dreg:$0x3] =	wrdreg s5  }
0xaa: {  	[dreg:$0x4] =	wrdreg $0xC0  }
0xab: {  	_ =	task [dreg:s7], $0x5FFFF  }
0xac: {  	[dreg:$0x1] =	wrdreg $0xFFFFFFFF  }
0xad: {  	[dreg:$0x0] =	wrdreg $0x60  }
0xae: {  	[dreg:$0x2] =	wrdreg s2  }
0xaf: {  	[dreg:$0x3] =	wrdreg s24  }
0xb0: {  	[dreg:$0x4] =	wrdreg $0x17200  }
0xb1: {  	[dreg:$0x5] =	wrdreg $0x19DC00  }
0xb2: {  	[dreg:$0x6] =	wrdreg $0x9  }
0xb3: {  	_ =	task.clear_ibuf [dreg:s7], $0x7FFFF;
	_ =	strace $0x90000046  }
0xb4: {  	s29 =	simm.s32 $0x9;
	_ =	strace $0x80000048  }
0xb5: {  	_ =	swait.ge [sflag:s29], $0x1  }
0xb6: {  	[sflag:s29] =	ssyncadd.s32 $0xFFFFFFFF  }
0xb7: {  	_ =	strace $0x90000048  }
0xb8: {  	_ =	sfence  }
0xb9: {  	s30 =	sld [smem:$0x0];
	_ =	sdelay $0x2  }
0xba: {  	s31 =	sshll.u32 s1, $0xD;
	s1 =	sshrl.u32 s1, $0x2  }
0xbb: {  	s3 =	sand.u32 $0x4000, s31;
	s1 =	sadd.s32 s1, s30  }
0xbc: {  	s0 =	sor.u32 s3, s0;
	s1 =	sshll.u32 s1, $0x11  }
0xbd: {  	s0 =	sor.u32 s1, s0  }
0xbe: {  	s0 =	sadd.s32 $0x8F2B, s0  }
0xbf: {  	[sflag:s0] =	ssyncadd.remote.s32 $0x1  }
0xc0: {  	_ =	sfence.sel $0xFFFF  }
0xc1: {  	[dreg:$0x0] =	wrdreg $0xFFFFFFFF;
	(pc) =	sbr.abs _section_cstart, $3  }
0xc2: {  	[dreg:$0x1] =	wrdreg $0xFFFFFFFF  }
0xc3: {  	_ =	task.clear_ibuf [dreg:s7], $0x2FFFF;
	_ =	strace $0x9FFFFFFF  }
0xc4: {  	(tm) =	ssettm $0x7FFFFFFF  }
0xc5: {  	_ =	shalt  }
tec
execute0_lowered:
.L_overlay_start_1:
0x0: {  	(tag) =	ssettag $0x1  }
0x1: {  	s1 =	rddreg [dreg:$0x0]  }
0x2: {  	s0 =	rddreg [dreg:$0x1]  }
0x3: {  	s2 =	rddreg [dreg:$0x2]  }
0x4: {  	s3 =	rddreg [dreg:$0x3]  }
0x5: {  	s4 =	simm.s32 $0x0;
	s8 =	srdreg.scid;
	s21 =	stileid.u32  }
0x6: {  	s30 =	simm.s32 $0x50;
	s31 =	simm.s32 $0xA0;
	s6 =	sadd.s32 $0x634200, s0  }
0x7: {  	s28 =	simm.s32 $0x2;
	s7 =	sadd.s32 $0x61BA00, s0;
	s9 =	sadd.s32 $0x64CC00, s0  }
0x8: {  	s29 =	simm.s32 $0x3;
	s10 =	sadd.s32 $0x64FE00, s0;
	s20 =	sadd.s32 $0x64CA00, s0  }
0x9: {  	[smem:$0x7FF] =	sst s4;
	s12 =	smul.u32 $0x61C00, s21;
	s13 =	sadd.s32 $0x650C00, s0  }
0xa: {  	s5 =	sadd.s32 $0x1200, s0;
	s15 =	smul.u32 $0x18700, s21;
	s0 =	sadd.s32 $0x6B2800, s0  }
0xb: {  	s11 =	sand.u32 $0x1, s8;
	s18 =	smul.u32 $0x61C0, s21;
	s19 =	sadd.s32 $0x16E900, s2  }
0xc: {  	s24 =	sadd.s32 $0x5BA40, s3;
	_ =	strace $0x80000047;
	[dreg:$0x5] =	wrdreg s20  }
0xd: {  	p0 =	seq.s32 s21, $0xF;
	s23 =	smul.u32 $0x186A00, s11;
	[dreg:$0x6] =	wrdreg s19  }
0xe: {  	s22 =	ssub.s32 $0x2, s11;
	s17 =	smul.u32 $0x61A80, s11;
	[dreg:$0x7] =	wrdreg s24  }
0xf: {  	s14 =	sshrl.u32 s22, $0x1;
	s12 =	sshrl.u32 s12, $0x2;
	s16 =	sshrl.u32 s15, $0x2  }
0x10: {  	s8 =	ssub.s32 s22, s14;
	s12 =	sadd.s32 s12, s2;
	s16 =	sadd.s32 s16, s3  }
0x11: {  	s25 =	sadd.s32 s15, s23;
	s20 =	sadd.s32 s18, s17;
	s14 =	sshrl.u32 s23, $0x3  }
0x12: {  	s17 =	sshrl.u32 s17, $0x3;
	s15 =	sadd.s32 s15, s2;
	s18 =	sadd.s32 s18, s3  }
0x13: {  	s19 =	sshrl.u32 s25, $0x3;
	s26 =	sshrl.u32 s20, $0x3;
	s20 =	smul.u32 $0xC350, s11  }
0x14: {  	s22 =	sshrl.u32 @!p0 s16, $0x3;
	s23 =	sshrl.u32 @!p0 s15, $0x3;
	s24 =	sshrl.u32 @!p0 s18, $0x3  }
0x15: {  	s25 =	smul.u32 $0x186A000, s11;
	s19 =	sadd.s32 s13, s19;
	s13 =	sadd.s32 s13, s14  }
0x16: {  	[dreg:$0x8] =	wrdreg s19;
	s19 =	sadd.s32 s0, s26;
	s0 =	sadd.s32 s0, s17  }
0x17: {  	s17 =	smul.u32 $0xC350, s21;
	s13 =	sadd.s32 $0x2DD20, s13;
	[dreg:$0x9] =	wrdreg s19  }
0x18: {  	s26 =	smax.u32 s8, $0x1;
	s21 =	sshrl.u32 @!p0 s12, $0x3;
	[dreg:$0xa] =	wrdreg s13  }
0x19: {  	s8 =	simm.s32 $0x0;
	s0 =	sadd.s32 $0xB748, s0;
	[dreg:$0xc] =	wrdreg s26  }
0x1a: {  	v0 =	vmov s20;
	s26 =	simm.s32 $0x1;
	[dreg:$0xb] =	wrdreg s0;
	s0 =	simm.s32 $0xAA0  }
.LBB2_1:
0x1b: {  	s12 =	rddreg [dreg:$0x6]  }
0x1c: {  	s15 =	simm.s32 @p0 $0x2;
	s13 =	sshrl.u32 @p0 s12, $0x3;
	s12 =	simm.s32 @p0 $0x1FC2  }
0x1d: {  	[spmem:s13], [sflag:s12] =	dma.local @p0 [hbm:s9], $0x3020  }
0x1e: {  	_ =	swait.ge @p0 [sflag:s15], $0x3020  }
0x1f: {  	[sflag:s15] =	ssyncset.done @p0 $0x0;
	s14 =	rddreg [dreg:$0x7]  }
0x20: {  	[sflag:s15] =	ssyncadd.s32 @p0 $0xFFFFCFE0;
	s14 =	sshrl.u32 @p0 s14, $0x3  }
0x21: {  	[spmem:s14], [sflag:s12] =	dma.local @p0 [hbm:s10], $0xC08  }
0x22: {  	s12 =	stileid.u32;
	_ =	swait.ge @p0 [sflag:s15], $0xC08  }
0x23: {  	s12 =	sshll.u32 @!p0 s12, $0x6;
	[sflag:s15] =	ssyncset.done @p0 $0x0  }
0x24: {  	s12 =	sor.u32 @!p0 $0x1C02, s12;
	[sflag:s15] =	ssyncadd.s32 @p0 $0xFFFFF3F8;
	s15 =	simm.s32 @!p0 $0x2  }
0x25: {  	[spmem:s21], [sflag:s12] =	dma.local @!p0 [hbm:s9], $0x30E0  }
0x26: {  	_ =	swait.ge @!p0 [sflag:s15], $0x30E0  }
0x27: {  	[sflag:s15] =	ssyncset.done @!p0 $0x0  }
0x28: {  	[sflag:s15] =	ssyncadd.s32 @!p0 $0xFFFFCF20  }
0x29: {  	[spmem:s22], [sflag:s12] =	dma.local @!p0 [hbm:s10], $0xC38  }
0x2a: {  	_ =	swait.ge @!p0 [sflag:s15], $0xC38  }
0x2b: {  	[sflag:s15] =	ssyncset.done @!p0 $0x0  }
0x2c: {  	s16 =	simm.s32 $0x14A0;
	s20 =	rddreg [dreg:$0x5];
	[sflag:s15] =	ssyncadd.s32 @!p0 $0xFFFFF3C8  }
0x2d: {  	[tilespmem:s16], [sflag:$0x2] =	stream.linear.gather [hbm4b:s20+s4], $0x280, $0x38;
	[tilespmem:$0x1FF68] =	vst v63  }
0x2e: {  	_ =	swait.ge [sflag:s28], $0x280  }
0x2f: {  	[sflag:s28] =	ssyncset.done $0x0  }
0x30: {  	[sflag:s28] =	ssyncadd.s32 $0xFFFFFD80  }
0x31: {  	s15 =	simm.s32 $0x0;
	[bflag:$0x0] =	sbarrier.arrive $0xFFFF  }
.LBB2_2:
0x32: {  	s16 =	smul.u32 $0x50, s15;
	_ =	sdelay $0x1  }
0x33: {  	s16 =	sadd.s32 s17, s16  }
0x34: {  	s18 =	sshrl.u32 s16, $0x3  }
0x35: {  	s19 =	sadd.s32 s6, s18  }
0x36: {  	[tilespmem:s4], [sflag:$0x3] =	stream.linear.gather [hbm4b:s19+s4], $0x50, $0x38;
	[tilespmem:$0x1FF68] =	vst v63  }
0x37: {  	_ =	swait.ge [sflag:s29], $0x50  }
0x38: {  	[sflag:s29] =	ssyncset.done $0x0  }
0x39: {  	s16 =	sshll.u32 s16, $0x5;
	s18 =	sadd.s32 s7, s18;
	[sflag:s29] =	ssyncadd.s32 $0xFFFFFFB0  }
0x3a: {  	[tilespmem:s30], [sflag:$0x3] =	stream.linear.gather [hbm4b:s18+s4], $0x50, $0x38;
	[tilespmem:$0x1FF68] =	vst v63  }
0x3b: {  	s16 =	sadd.s32 s25, s16;
	_ =	swait.ge [sflag:s29], $0x50  }
0x3c: {  	s16 =	sshrl.u32 s16, $0x3;
	[sflag:s29] =	ssyncset.done $0x0  }
0x3d: {  	s16 =	sadd.s32 s5, s16;
	[sflag:s29] =	ssyncadd.s32 $0xFFFFFFB0  }
0x3e: {  	[tilespmem:s31], [sflag:$0x3] =	stream.linear.gather [hbm4b:s16+s4], $0xA00, $0x38;
	[tilespmem:$0x1FF68] =	vst v63  }
0x3f: {  	_ =	swait.ge [sflag:s29], $0xA00  }
0x40: {  	[sflag:s29] =	ssyncset.done $0x0  }
0x41: {  	[sflag:s29] =	ssyncadd.s32 $0xFFFFF600  }
0x42: {  	v1 =	vld [tilespmem:$0x0]  }
0x43: {  	v2 =	vld [tilespmem:$0x10]  }
0x44: {  	v3 =	vld [tilespmem:$0x20]  }
0x45: {  	v4 =	vld [tilespmem:$0x30]  }
0x46: {  	v5 =	vld [tilespmem:$0x40]  }
0x47: {  	v1 =	vadd.s32 v0, v1  }
0x48: {  	[tilespmem:$0x0] =	vst v1;
	v1 =	vadd.s32 v0, v2  }
0x49: {  	[tilespmem:$0x10] =	vst v1;
	v1 =	vadd.s32 v0, v3  }
0x4a: {  	[tilespmem:$0x20] =	vst v1;
	v1 =	vadd.s32 v0, v4  }
0x4b: {  	[tilespmem:$0x30] =	vst v1;
	v1 =	vadd.s32 v0, v5  }
0x4c: {  	[tilespmem:$0x40] =	vst v1  }
0x4d: {  	[tilespmem:s0], [sflag:$0x1] =	stream.indirect.gather [hbm4b:s1+s30], $0x20, s4, s30, $0xb8;
	[tilespmem:$0x1FF68] =	vst v63  }
0x4e: {  	_ =	swait.ge [sflag:s26], $0xA00  }
0x4f: {  	[sflag:s26] =	ssyncset.done $0x0  }
0x50: {  	s16 =	simm.s32 $0xAE0;
	[sflag:s26] =	ssyncadd.s32 $0xFFFFF600  }
0x51: {  	s18 =	simm.s32 $0xE0;
	v1 =	vld [tilespmem:s16+$0xFFFFFFC0]  }
0x52: {  	v2 =	vld [tilespmem:s18+$0xFFFFFFC0];
	_ =	sdelay $0x4  }
0x53: {  	v1 =	vmul.f32 v2, v1;
	_ =	sdelay $0x1  }
0x54: {  	[tilespmem:s16+$0xFFFFFFC0] =	vst v1;
	v1 =	vld [tilespmem:s16+$0xFFFFFFD0]  }
0x55: {  	v2 =	vld [tilespmem:s18+$0xFFFFFFD0];
	_ =	sdelay $0x4  }
0x56: {  	v1 =	vmul.f32 v2, v1;
	_ =	sdelay $0x1  }
0x57: {  	[tilespmem:s16+$0xFFFFFFD0] =	vst v1;
	v1 =	vld [tilespmem:s16+$0xFFFFFFE0]  }
0x58: {  	v2 =	vld [tilespmem:s18+$0xFFFFFFE0];
	_ =	sdelay $0x4  }
0x59: {  	v1 =	vmul.f32 v2, v1;
	_ =	sdelay $0x1  }
0x5a: {  	[tilespmem:s16+$0xFFFFFFE0] =	vst v1;
	v1 =	vld [tilespmem:s16+$0xFFFFFFF0]  }
0x5b: {  	v2 =	vld [tilespmem:s18+$0xFFFFFFF0];
	_ =	sdelay $0x4  }
0x5c: {  	v1 =	vmul.f32 v2, v1;
	_ =	sdelay $0x1  }
0x5d: {  	[tilespmem:s16+$0xFFFFFFF0] =	vst v1;
	v1 =	vld [tilespmem:s16+$0x0]  }
0x5e: {  	v2 =	vld [tilespmem:s18+$0x0];
	_ =	sdelay $0x4  }
0x5f: {  	v1 =	vmul.f32 v2, v1;
	_ =	sdelay $0x1  }
0x60: {  	[tilespmem:s16+$0x0] =	vst v1;
	v1 =	vld [tilespmem:s16+$0x10]  }
0x61: {  	v2 =	vld [tilespmem:s18+$0x10];
	_ =	sdelay $0x4  }
0x62: {  	v1 =	vmul.f32 v2, v1;
	_ =	sdelay $0x1  }
0x63: {  	[tilespmem:s16+$0x10] =	vst v1;
	v1 =	vld [tilespmem:s16+$0x20]  }
0x64: {  	v2 =	vld [tilespmem:s18+$0x20];
	_ =	sdelay $0x4  }
0x65: {  	v1 =	vmul.f32 v2, v1;
	_ =	sdelay $0x1  }
0x66: {  	[tilespmem:s16+$0x20] =	vst v1;
	v1 =	vld [tilespmem:s16+$0x30]  }
0x67: {  	v2 =	vld [tilespmem:s18+$0x30];
	_ =	sdelay $0x4  }
0x68: {  	v1 =	vmul.f32 v2, v1  }
0x69: {  	s20 =	simm.s32 $0xB60;
	s19 =	simm.s32 $0x0  }
.LBB2_3:
0x6a: {  	v2 =	vld [tilespmem:s20+$0xFFFFFFC0];
	[tilespmem:s16+$0x30] =	vst v1;
	s18 =	sadd.s32 $0x80, s18;
	s16 =	smov.u32 s20  }
0x6b: {  	s19 =	sadd.s32 $0x4, s19;
	v1 =	vld [tilespmem:s18+$0xFFFFFFC0]  }
0x6c: {  	p1 =	slt.u32 s19, $0x4C;
	_ =	sdelay $0x3  }
0x6d: {  	v1 =	vmul.f32 v1, v2;
	_ =	sdelay $0x1  }
0x6e: {  	[tilespmem:s20+$0xFFFFFFC0] =	vst v1;
	v1 =	vld [tilespmem:s20+$0xFFFFFFD0]  }
0x6f: {  	v2 =	vld [tilespmem:s18+$0xFFFFFFD0];
	_ =	sdelay $0x4  }
0x70: {  	v1 =	vmul.f32 v2, v1;
	_ =	sdelay $0x1  }
0x71: {  	[tilespmem:s20+$0xFFFFFFD0] =	vst v1;
	v1 =	vld [tilespmem:s20+$0xFFFFFFE0]  }
0x72: {  	v2 =	vld [tilespmem:s18+$0xFFFFFFE0];
	_ =	sdelay $0x4  }
0x73: {  	v1 =	vmul.f32 v2, v1;
	_ =	sdelay $0x1  }
0x74: {  	[tilespmem:s20+$0xFFFFFFE0] =	vst v1;
	v1 =	vld [tilespmem:s20+$0xFFFFFFF0]  }
0x75: {  	v2 =	vld [tilespmem:s18+$0xFFFFFFF0];
	_ =	sdelay $0x4  }
0x76: {  	v1 =	vmul.f32 v2, v1;
	_ =	sdelay $0x1  }
0x77: {  	[tilespmem:s20+$0xFFFFFFF0] =	vst v1;
	v1 =	vld [tilespmem:s20+$0x0]  }
0x78: {  	v2 =	vld [tilespmem:s18+$0x0];
	_ =	sdelay $0x4  }
0x79: {  	v1 =	vmul.f32 v2, v1;
	_ =	sdelay $0x1  }
0x7a: {  	[tilespmem:s20+$0x0] =	vst v1;
	v1 =	vld [tilespmem:s20+$0x10]  }
0x7b: {  	v2 =	vld [tilespmem:s18+$0x10];
	_ =	sdelay $0x4  }
0x7c: {  	v1 =	vmul.f32 v2, v1;
	_ =	sdelay $0x1  }
0x7d: {  	[tilespmem:s20+$0x10] =	vst v1;
	v1 =	vld [tilespmem:s20+$0x20]  }
0x7e: {  	v2 =	vld [tilespmem:s18+$0x20];
	_ =	sdelay $0x4  }
0x7f: {  	v1 =	vmul.f32 v2, v1;
	_ =	sdelay $0x1  }
0x80: {  	[tilespmem:s20+$0x20] =	vst v1;
	v1 =	vld [tilespmem:s20+$0x30]  }
0x81: {  	v2 =	vld [tilespmem:s18+$0x30];
	_ =	sdelay $0x1  }
.Ltmp0:
0x82: {  	(pc) =	sbr.rel @p1 .LBB2_3-.Ltmp0, $3  }
0x83: {  	_ =	sdelay $0x1  }
0x84: {  	v1 =	vmul.f32 v2, v1  }
0x85: {  	s20 =	sadd.s32 $0x80, s20  }
0x86: {  	[tilespmem:s16+$0x30] =	vst v1  }
0x87: {  	[spmem:s2] =	stream.indirect.scatter.add.f32 [tilespmem:s0], [sflag:$0x3], $0x20, s30, s30, $0xb8;
	[tilespmem:$0x1FF68] =	vst v63  }
0x88: {  	s20 =	sand.u32 $0x1, s15;
	s15 =	sadd.s32 $0x1, s15;
	_ =	swait.ge [sflag:s29], $0xA00  }
0x89: {  	p1 =	sne.s32 s20, s11;
	p2 =	sne.s32 s15, $0x271;
	[sflag:s29] =	ssyncset.done $0x0  }
0x8a: {  	s16 =	simm.s32 @!p1 $0x50;
	s18 =	simm.s32 @!p1 $0x14A0;
	[sflag:s29] =	ssyncadd.s32 $0xFFFFF600  }
0x8b: {  	[spmem:s3] =	stream.indirect.scatter.add.f32 @!p1 [tilespmem:s18], [sflag:$0x2], $0x8, s16, s16, $0xb8;
	[tilespmem:$0x1FF68] =	vst v63  }
.Ltmp1:
0x8c: {  	_ = 	snop;
	(pc) =	sbr.rel @p2 .LBB2_2-.Ltmp1, $4  }
0x8d: {  	s16 =	simm.s32 @!p1 $0x2  }
0x8e: {  	_ =	swait.ge @!p1 [sflag:s16], $0x280  }
0x8f: {  	[sflag:s16] =	ssyncset.done @!p1 $0x0  }
0x90: {  	[sflag:s16] =	ssyncadd.s32 @!p1 $0xFFFFFD80  }
0x91: {  	[bflag:$0x0] =	sbarrier.arrive $0xFFFF  }
0x92: {  	s15 =	simm.s32 @p0 $0x1FC2;
	s16 =	rddreg [dreg:$0xa]  }
0x93: {  	[hbm:s16], [sflag:s15] =	dma.local @p0 [spmem:s13], $0x3020  }
0x94: {  	s13 =	simm.s32 @p0 $0x2  }
0x95: {  	_ =	swait.ge @p0 [sflag:s13], $0x3020  }
0x96: {  	[sflag:s13] =	ssyncset.done @p0 $0x0  }
0x97: {  	s16 =	rddreg [dreg:$0xb];
	[sflag:s13] =	ssyncadd.s32 @p0 $0xFFFFCFE0  }
0x98: {  	[hbm:s16], [sflag:s15] =	dma.local @p0 [spmem:s14], $0xC08  }
0x99: {  	_ =	swait.ge @p0 [sflag:s13], $0xC08  }
0x9a: {  	[sflag:s13] =	ssyncset.done @p0 $0x0  }
0x9b: {  	[sflag:s13] =	ssyncadd.s32 @p0 $0xFFFFF3F8;
	s13 =	rddreg [dreg:$0x8]  }
0x9c: {  	[hbm:s13], [sflag:s12] =	dma.local @!p0 [spmem:s23], $0x30E0  }
0x9d: {  	s13 =	simm.s32 @!p0 $0x2  }
0x9e: {  	_ =	swait.ge @!p0 [sflag:s13], $0x30E0  }
0x9f: {  	[sflag:s13] =	ssyncset.done @!p0 $0x0  }
0xa0: {  	s14 =	rddreg [dreg:$0x9];
	[sflag:s13] =	ssyncadd.s32 @!p0 $0xFFFFCF20  }
0xa1: {  	[hbm:s14], [sflag:s12] =	dma.local @!p0 [spmem:s24], $0xC38  }
0xa2: {  	_ =	swait.ge @!p0 [sflag:s13], $0xC38  }
0xa3: {  	s8 =	sadd.s32 $0x1, s8;
	s20 =	rddreg [dreg:$0xc]  }
0xa4: {  	p1 =	sne.s32 s8, s20  }
.Ltmp2:
0xa5: {  	_ = 	snop;
	(pc) =	sbr.rel @p1 .LBB2_1-.Ltmp2, $3  }
0xa6: {  	_ =	sdelay $0x1  }
0xa7: {  	[sflag:s13] =	ssyncset.done @!p0 $0x0  }
0xa8: {  	[sflag:s13] =	ssyncadd.s32 @!p0 $0xFFFFF3C8  }
0xa9: {  	_ =	sfence.sel $0x180000  }
0xaa: {  	[bflag:$0x0] =	sbarrier.arrive $0xFFFF  }
0xab: {  	_ =	strace $0x90000047  }
0xac: {  	s0 =	stileid.u32;
	[bflag:$0x2] =	sbarrier.arrive $0xFFFF  }
0xad: {  	p0 =	sne.s32 s0, $0x0;
	s0 =	rddreg [dreg:$0x4]  }
0xae: {  	s0 =	sadd.s32 @!p0 $0x100000, s0  }
0xaf: {  	[sflag:s0] =	ssyncadd.tile.s32 @!p0 $0x1;
	_ =	shalt  }
.Lfunc_end2:
_tile_overlayer_lowered:
.L_overlay_start_2:
0xb0: {  	(tag) =	ssettag $0x2  }
0xb1: {  	s0 =	rddreg [dreg:$0x0];
	s2 =	stileid.u32  }
0xb2: {  	s1 =	rddreg [dreg:$0x1];
	p0 =	sne.s32 s2, $0x0  }
0xb3: {  	s3 =	rddreg [dreg:$0x2];
	[bflag:$0x3] =	sbarrier.arrive $0xFFFF;
	s2 =	simm.s32 @!p0 $0x1C02  }
0xb4: {  	[timem:s3], [sflag:s2] =	dma.local @!p0 [hbm:s0], s1  }
0xb5: {  	s0 =	simm.s32 @!p0 $0x2  }
0xb6: {  	_ =	swait.ge @!p0 [sflag:s0], s1  }
0xb7: {  	s1 =	ssub.s32 @!p0 $0x0, s1;
	[sflag:s0] =	ssyncset.done @!p0 $0x0  }
0xb8: {  	[sflag:s0] =	ssyncadd.s32 @!p0 s1  }
0xb9: {  	[bflag:$0x3] =	sbarrier.arrive $0xFFFF  }
0xba: {  	_ =	shalt  }

</sc_bundles>
